<compile_context>
chip_gen: v7x
topology: tpu7x:2x2x1
jax: 0.10.2.dev20260603
libtpu: 0.0.44.dev20260713+nightly
codegen_flags: <defaults>
</compile_context>

<pallas_src>
import functools

import jax
import jax.numpy as jnp
from jax import lax
from jax.experimental import pallas as pl
from jax.experimental.pallas import tpu as pltpu
from jax.experimental.pallas import tpu_sc as plsc

B, N = 512, 256
INPUT_DIM, COND_DIM, HIDDEN, LATENT, K = 3, 16, 256, 64, 1024
TCHUNK = 16
NPOS = 256
NVALID = N - 2

SC_NC, SC_NS = 2, 16
SC_NW = SC_NC * SC_NS
B_PER_W = B // SC_NW

NEG = float("-inf")


def _enc_kernel(x_ref, w9t_ref, cb_b_ref, w1_ref, b1_ref, w2_ref, b2_ref,
                wl_ref, bl_ref, cb_ref, ct_ref, nt_ref, wc_ref, wn_ref,
                bd_ref, idx_ref, part_ref):
    run = jnp.full((HIDDEN, B), NEG, jnp.float32)
    for ch in range(NPOS // TCHUNK):
        hp = jnp.dot(w9t_ref[:], x_ref[:, ch * TCHUNK * B:(ch + 1) * TCHUNK * B],
                     preferred_element_type=jnp.float32)
        if (ch + 1) * TCHUNK > NVALID:
            lane = lax.broadcasted_iota(jnp.int32, (HIDDEN, TCHUNK * B), 1)
            hp = jnp.where(lane < (NVALID - ch * TCHUNK) * B, hp, NEG)
        s = TCHUNK * B // 2
        while s >= B:
            hp = jnp.maximum(hp[:, :s], hp[:, s:2 * s])
            s //= 2
        run = jnp.maximum(run, hp)
    h = run + cb_b_ref[:]
    h = jnp.maximum(jnp.dot(w1_ref[:], h, preferred_element_type=jnp.float32)
                    + b1_ref[:], 0.0)
    h = jnp.maximum(jnp.dot(w2_ref[:], h, preferred_element_type=jnp.float32)
                    + b2_ref[:], 0.0)
    z = jnp.dot(wl_ref[:], h, preferred_element_type=jnp.float32) + bl_ref[:]
    cbn = jnp.sum(cb_ref[:] ** 2, axis=1, keepdims=True)
    dist = cbn - 2.0 * jnp.dot(cb_ref[:], z,
                               preferred_element_type=jnp.float32)
    dmin = jnp.min(dist, axis=0, keepdims=True)
    ks = lax.broadcasted_iota(jnp.int32, (K, B), 0)
    idx_ref[0, :] = jnp.min(jnp.where(dist <= dmin, ks, K), axis=0)
    part_ref[:, :] = (jnp.dot(wc_ref[:], ct_ref[:], preferred_element_type=jnp.float32)
                      + jnp.dot(wn_ref[:], nt_ref[:], preferred_element_type=jnp.float32)
                      + bd_ref[:])


def _dec_kernel(zq_ref, part_ref, wz_ref, w1_ref, b1_ref, w2_ref, b2_ref,
                wo_ref, bo_ref, out_ref):
    zt = zq_ref[:].T
    d = jnp.maximum(jnp.dot(wz_ref[:], zt,
                            preferred_element_type=jnp.float32) + part_ref[:], 0.0)
    d = jnp.maximum(jnp.dot(w1_ref[:], d, preferred_element_type=jnp.float32)
                    + b1_ref[:], 0.0)
    d = jnp.maximum(jnp.dot(w2_ref[:], d, preferred_element_type=jnp.float32)
                    + b2_ref[:], 0.0)
    out_ref[:, :] = (jnp.dot(wo_ref[:], d, preferred_element_type=jnp.float32)
                     + bo_ref[:]).T


def _sc_gather(codebook, idx):
    mesh = plsc.VectorSubcoreMesh(core_axis_name="c", subcore_axis_name="s")

    @functools.partial(
        pl.kernel, mesh=mesh,
        out_type=jax.ShapeDtypeStruct((B, LATENT), jnp.float32),
        compiler_params=pltpu.CompilerParams(use_tc_tiling_on_sc=False),
        scratch_types=[
            pltpu.VMEM((B_PER_W,), jnp.int32),
            pltpu.VMEM((B_PER_W, LATENT), jnp.float32),
            pltpu.SemaphoreType.DMA,
        ],
    )
    def gather(table_hbm, idx_hbm, out_hbm, idx_v, rows_v, sem):
        wid = lax.axis_index("s") * SC_NC + lax.axis_index("c")
        base = wid * B_PER_W
        pltpu.sync_copy(idx_hbm.at[pl.ds(base, B_PER_W)], idx_v)
        pltpu.async_copy(table_hbm.at[idx_v], rows_v, sem).wait()
        pltpu.sync_copy(rows_v, out_hbm.at[pl.ds(base, B_PER_W)])

    return gather(codebook, idx)


def kernel(x, c, noise, conv_w, conv_b, enc_h1_w, enc_h1_b, enc_h2_w, enc_h2_b,
           enc_lat_w, enc_lat_b, codebook, dec_in_w, dec_in_b, dec_h1_w, dec_h1_b,
           dec_h2_w, dec_h2_b, dec_out_w, dec_out_b):
    f32 = jnp.float32
    xp = jnp.pad(x, ((0, 0), (0, 2), (0, 0)))
    xt = jnp.transpose(xp, (2, 1, 0))
    x9 = jnp.stack([xt[cc, k:k + NPOS, :]
                    for k in range(3) for cc in range(3)])
    x9 = x9.reshape(9, NPOS * B).astype(jnp.bfloat16)
    x9 = jnp.zeros((9, NPOS * B), jnp.bfloat16)
    w9t = jnp.transpose(conv_w, (2, 1, 0)).reshape(9, HIDDEN).T.astype(jnp.bfloat16)
    col = lambda v: v[:, None].astype(f32)
    wz = dec_in_w[:LATENT].T
    wc = dec_in_w[LATENT:LATENT + COND_DIM].T
    wn = dec_in_w[LATENT + COND_DIM:].T

    idx2, part = pl.pallas_call(
        _enc_kernel,
        out_shape=[
            jax.ShapeDtypeStruct((1, B), jnp.int32),
            jax.ShapeDtypeStruct((HIDDEN, B), f32),
        ],
    )(x9, w9t, col(conv_b), enc_h1_w.T, col(enc_h1_b), enc_h2_w.T,
      col(enc_h2_b), enc_lat_w.T, col(enc_lat_b), codebook, c.T, noise.T,
      wc, wn, col(dec_in_b))

    z_q = _sc_gather(codebook, idx2.reshape(B))

    out = pl.pallas_call(
        _dec_kernel,
        out_shape=jax.ShapeDtypeStruct((B, INPUT_DIM), f32),
    )(z_q, part, wz, dec_h1_w.T, col(dec_h1_b), dec_h2_w.T, col(dec_h2_b),
      dec_out_w.T, col(dec_out_b))
    return out

# --- scband reference (transcript-rebuilt; emitter-appended) ---
"""Pipeline reference for scband-conditional-vqvae-67637144978453 (READ-ONLY COPY).

The authoritative reference and input builder live on the scoring server;
editing this copy changes nothing except your own understanding.
"""

import jax, jax.numpy as jnp
import numpy as np

B, N = 512, 256
INPUT_DIM, COND_DIM, HIDDEN, LATENT, K = 3, 16, 256, 64, 1024

def setup_inputs(seed: int = 0) -> dict:
    key = jax.random.key(seed)
    ks = jax.random.split(key, 20)
    def lin(k, fan_in, fan_out):
        bound = 1.0 / np.sqrt(fan_in)
        kw, kb = jax.random.split(k)
        w = jax.random.uniform(kw, (fan_in, fan_out), jnp.float32, -bound, bound)
        b = jax.random.uniform(kb, (fan_out,), jnp.float32, -bound, bound)
        return w, b
    x = jax.random.normal(ks[0], (B, N, INPUT_DIM), jnp.float32)
    c = jax.random.normal(ks[1], (B, COND_DIM), jnp.float32)
    noise = jax.random.normal(ks[2], (B, INPUT_DIM), jnp.float32)
    cbound = 1.0 / np.sqrt(INPUT_DIM * 3)
    conv_w = jax.random.uniform(ks[3], (HIDDEN, INPUT_DIM, 3), jnp.float32, -cbound, cbound)
    conv_b = jax.random.uniform(ks[4], (HIDDEN,), jnp.float32, -cbound, cbound)
    enc_h1_w, enc_h1_b = lin(ks[5], HIDDEN, HIDDEN)
    enc_h2_w, enc_h2_b = lin(ks[6], HIDDEN, HIDDEN)
    enc_lat_w, enc_lat_b = lin(ks[7], HIDDEN, LATENT)
    dec_in_w, dec_in_b = lin(ks[8], LATENT + COND_DIM + INPUT_DIM, HIDDEN)
    dec_h1_w, dec_h1_b = lin(ks[9], HIDDEN, HIDDEN)
    dec_h2_w, dec_h2_b = lin(ks[10], HIDDEN, HIDDEN)
    dec_out_w, dec_out_b = lin(ks[11], HIDDEN, INPUT_DIM)
    codebook = jax.random.uniform(ks[12], (K, LATENT), jnp.float32, -1.0 / K, 1.0 / K)
    return {"x": x, "c": c, "noise": noise, "conv_w": conv_w, "conv_b": conv_b,
            "enc_h1_w": enc_h1_w, "enc_h1_b": enc_h1_b, "enc_h2_w": enc_h2_w, "enc_h2_b": enc_h2_b,
            "enc_lat_w": enc_lat_w, "enc_lat_b": enc_lat_b, "codebook": codebook,
            "dec_in_w": dec_in_w, "dec_in_b": dec_in_b, "dec_h1_w": dec_h1_w, "dec_h1_b": dec_h1_b,
            "dec_h2_w": dec_h2_w, "dec_h2_b": dec_h2_b, "dec_out_w": dec_out_w, "dec_out_b": dec_out_b}

def reference(x, c, noise, conv_w, conv_b, enc_h1_w, enc_h1_b, enc_h2_w, enc_h2_b,
              enc_lat_w, enc_lat_b, codebook, dec_in_w, dec_in_b, dec_h1_w, dec_h1_b,
              dec_h2_w, dec_h2_b, dec_out_w, dec_out_b):
    # EncoderConv1
    xt = jnp.transpose(x, (0, 2, 1))  # [B, C_in, N]
    h = jax.lax.conv_general_dilated(xt, conv_w, window_strides=(1,), padding='VALID',
                                     dimension_numbers=('NCH', 'OIH', 'NCH'))
    h = h + conv_b[None, :, None]
    h = jnp.max(h, axis=2)  # [B, HIDDEN]
    h = jax.nn.relu(h @ enc_h1_w + enc_h1_b)
    h = jax.nn.relu(h @ enc_h2_w + enc_h2_b)
    z_e = h @ enc_lat_w + enc_lat_b  # [B, LATENT]
    # VectorQuantizer.forward: nearest codebook entry
    distances = (jnp.sum(z_e ** 2, axis=-1, keepdims=True)
                 + jnp.sum(codebook ** 2, axis=1)
                 - 2.0 * (z_e @ codebook.T))  # [B, K]
    indices = jnp.argmin(distances, axis=-1)  # [B]
    # straight_through
    z_q = jnp.take(codebook, indices, axis=0)
    z_q_sg = z_e + jax.lax.stop_gradient(z_q - z_e)
    # DecoderMLP
    d = jnp.concatenate([z_q_sg, c, noise], axis=1)
    d = jax.nn.relu(d @ dec_in_w + dec_in_b)
    d = jax.nn.relu(d @ dec_h1_w + dec_h1_b)
    d = jax.nn.relu(d @ dec_h2_w + dec_h2_b)
    out = d @ dec_out_w + dec_out_b  # [B, INPUT_DIM]
    return out

if __name__ == "__main__":
    import jax
    _d = setup_inputs()
    print(jax.jit(kernel)(*tuple(_d.values())))

</pallas_src>

<mosaic_0001>
#map = affine_map<(d0, d1) -> (0, 0)>
#map1 = affine_map<(d0, d1) -> (0)>
module attributes {stable_mosaic.version = 14 : i64} {
  func.func @gather(%arg0: i32, %arg1: i32, %arg2: memref<1024x64xf32, #tpu.memory_space<hbm>>, %arg3: memref<512xi32, #tpu.memory_space<hbm>>, %arg4: memref<512x64xf32, #tpu.memory_space<hbm>>, %arg5: memref<16xi32, #tpu.memory_space<vmem>>, %arg6: memref<16x64xf32, #tpu.memory_space<vmem>>, %arg7: memref<!tpu.dma_semaphore, #tpu.memory_space<semaphore_mem>>) attributes {dimension_semantics = [#tpu.dimension_semantics<core_parallel>, #tpu.dimension_semantics<subcore_parallel>], iteration_bounds = array<i64: 2, 16>, scalar_prefetch = 0 : i64, scratch_operands = 3 : i64, tpu.core_type = #tpu.core_type<sc_vector_subcore>, window_params = [{transform_indices = #map}, {transform_indices = #map1}, {transform_indices = #map}]} {
    %mul3A = arith.constant 2 : i32
    %mul3A_0 = arith.muli %arg1, %mul3A : i32
    %add3A = arith.addi %mul3A_0, %arg0 : i32
    %mul3A_1 = arith.constant 16 : i32
    %mul3A_2 = arith.muli %add3A, %mul3A_1 : i32
    "tpu.region"() ({
      %run_scoped3A = tpu.sem_alloc : memref<!tpu.dma_semaphore, #tpu.memory_space<semaphore_mem>>
      %dma_start3A_7 = tpu.memref_slice %arg3[%mul3A_2] : memref<512xi32, #tpu.memory_space<hbm>> -> memref<16xi32, #tpu.memory_space<hbm>>
      %dma_start3A_8 = tpu.memref_slice %arg3[%mul3A_2] : memref<512xi32, #tpu.memory_space<hbm>> -> memref<16xi32, #tpu.memory_space<hbm>>
      tpu.enqueue_dma source(%dma_start3A_8 : memref<16xi32, #tpu.memory_space<hbm>>) target(%arg5 : memref<16xi32, #tpu.memory_space<vmem>>) target_semaphore(%run_scoped3A : memref<!tpu.dma_semaphore, #tpu.memory_space<semaphore_mem>>)
      %dma_wait3A_9 = tpu.memref_slice %arg3[%mul3A_2] : memref<512xi32, #tpu.memory_space<hbm>> -> memref<16xi32, #tpu.memory_space<hbm>>
      %dma_wait3A_10 = tpu.memref_slice %arg3[%mul3A_2] : memref<512xi32, #tpu.memory_space<hbm>> -> memref<16xi32, #tpu.memory_space<hbm>>
      tpu.wait_dma2 semaphore(%run_scoped3A : memref<!tpu.dma_semaphore, #tpu.memory_space<semaphore_mem>>) src(%dma_wait3A_10 : memref<16xi32, #tpu.memory_space<hbm>>) dst(%arg5 : memref<16xi32, #tpu.memory_space<vmem>>)
      tpu.yield
    }) : () -> ()
    %dma_start3A = arith.constant 0 : i32
    %dma_start3A_3 = arith.constant 0 : i32
    %dma_start3A_4 = tpu.memref_slice %arg2[%dma_start3A, %dma_start3A_3] : memref<1024x64xf32, #tpu.memory_space<hbm>> -> memref<1024x64xf32, #tpu.memory_space<hbm>>
    tpu.enqueue_indirect_dma source(%dma_start3A_4 : memref<1024x64xf32, #tpu.memory_space<hbm>>) target(%arg6 : memref<16x64xf32, #tpu.memory_space<vmem>>) offsets(%arg5 : memref<16xi32, #tpu.memory_space<vmem>>) semaphore(%arg7 : memref<!tpu.dma_semaphore, #tpu.memory_space<semaphore_mem>>)
    %dma_wait3A = arith.constant 0 : i32
    %dma_wait3A_5 = arith.constant 0 : i32
    %dma_wait3A_6 = tpu.memref_slice %arg2[%dma_wait3A, %dma_wait3A_5] : memref<1024x64xf32, #tpu.memory_space<hbm>> -> memref<1024x64xf32, #tpu.memory_space<hbm>>
    tpu.wait_indirect_dma semaphore(%arg7 : memref<!tpu.dma_semaphore, #tpu.memory_space<semaphore_mem>>) src(%dma_wait3A_6 : memref<1024x64xf32, #tpu.memory_space<hbm>>) dst(%arg6 : memref<16x64xf32, #tpu.memory_space<vmem>>)
    "tpu.region"() ({
      %run_scoped3A = tpu.sem_alloc : memref<!tpu.dma_semaphore, #tpu.memory_space<semaphore_mem>>
      %dma_start3A_7 = arith.constant 0 : i32
      %dma_start3A_8 = tpu.memref_slice %arg4[%mul3A_2, %dma_start3A_7] : memref<512x64xf32, #tpu.memory_space<hbm>> -> memref<16x64xf32, #tpu.memory_space<hbm>>
      %dma_start3A_9 = arith.constant 0 : i32
      %dma_start3A_10 = tpu.memref_slice %arg4[%mul3A_2, %dma_start3A_9] : memref<512x64xf32, #tpu.memory_space<hbm>> -> memref<16x64xf32, #tpu.memory_space<hbm>>
      tpu.enqueue_dma source(%arg6 : memref<16x64xf32, #tpu.memory_space<vmem>>) target(%dma_start3A_10 : memref<16x64xf32, #tpu.memory_space<hbm>>) target_semaphore(%run_scoped3A : memref<!tpu.dma_semaphore, #tpu.memory_space<semaphore_mem>>)
      %dma_wait3A_11 = arith.constant 0 : i32
      %dma_wait3A_12 = tpu.memref_slice %arg4[%mul3A_2, %dma_wait3A_11] : memref<512x64xf32, #tpu.memory_space<hbm>> -> memref<16x64xf32, #tpu.memory_space<hbm>>
      %dma_wait3A_13 = arith.constant 0 : i32
      %dma_wait3A_14 = tpu.memref_slice %arg4[%mul3A_2, %dma_wait3A_13] : memref<512x64xf32, #tpu.memory_space<hbm>> -> memref<16x64xf32, #tpu.memory_space<hbm>>
      tpu.wait_dma2 semaphore(%run_scoped3A : memref<!tpu.dma_semaphore, #tpu.memory_space<semaphore_mem>>) src(%arg6 : memref<16x64xf32, #tpu.memory_space<vmem>>) dst(%dma_wait3A_14 : memref<16x64xf32, #tpu.memory_space<hbm>>)
      tpu.yield
    }) : () -> ()
    return
  }
}

module attributes {stable_mosaic.version = 14 : i64} {
  func.func @_enc_kernel(%arg0: memref<9x131072xbf16, #tpu.memory_space<vmem>>, %arg1: memref<256x9xbf16, #tpu.memory_space<vmem>>, %arg2: memref<256x1xf32, #tpu.memory_space<vmem>>, %arg3: memref<256x256xf32, #tpu.memory_space<vmem>>, %arg4: memref<256x1xf32, #tpu.memory_space<vmem>>, %arg5: memref<256x256xf32, #tpu.memory_space<vmem>>, %arg6: memref<256x1xf32, #tpu.memory_space<vmem>>, %arg7: memref<64x256xf32, #tpu.memory_space<vmem>>, %arg8: memref<64x1xf32, #tpu.memory_space<vmem>>, %arg9: memref<1024x64xf32, #tpu.memory_space<vmem>>, %arg10: memref<16x512xf32, #tpu.memory_space<vmem>>, %arg11: memref<3x512xf32, #tpu.memory_space<vmem>>, %arg12: memref<256x16xf32, #tpu.memory_space<vmem>>, %arg13: memref<256x3xf32, #tpu.memory_space<vmem>>, %arg14: memref<256x1xf32, #tpu.memory_space<vmem>>, %arg15: memref<1x512xi32, #tpu.memory_space<vmem>>, %arg16: memref<256x512xf32, #tpu.memory_space<vmem>>) attributes {dimension_semantics = [], scalar_prefetch = 0 : i64, scratch_operands = 0 : i64, tpu.core_type = #tpu.core_type<tc>} {
    %broadcast_in_dim3A = arith.constant 0xFF800000 : f32
    %broadcast_in_dim3A_0 = vector.broadcast %broadcast_in_dim3A : f32 to vector<256x512xf32>
    %get3A = arith.constant 0 : index
    %get3A_1 = arith.constant 0 : index
    %get3A_2 = vector.load %arg1[%get3A, %get3A_1] : memref<256x9xbf16, #tpu.memory_space<vmem>>, vector<256x9xbf16>
    %get3A_3 = arith.constant 0 : index
    %get3A_4 = arith.constant 0 : index
    %get3A_5 = vector.load %arg0[%get3A_3, %get3A_4] : memref<9x131072xbf16, #tpu.memory_space<vmem>>, vector<9x8192xbf16>
    %dot_general3A = arith.constant dense<0.000000e+00> : vector<256x8192xf32>
    %dot_general3A_6 = tpu.matmul %get3A_2, %get3A_5, %dot_general3A {dimension_numbers = #tpu.dot_dimension_numbers<[1], [0], [0], [1], [0, 0, 1, 1], [], []>, transpose_lhs_hint = false} : vector<256x9xbf16>, vector<9x8192xbf16>, vector<256x8192xf32> -> vector<256x8192xf32>
    %slice3A = vector.extract_strided_slice %dot_general3A_6 {offsets = [0, 0], sizes = [256, 4096], strides = [1, 1]} : vector<256x8192xf32> to vector<256x4096xf32>
    %slice3A_7 = vector.extract_strided_slice %dot_general3A_6 {offsets = [0, 4096], sizes = [256, 4096], strides = [1, 1]} : vector<256x8192xf32> to vector<256x4096xf32>
    %max3A = arith.maximumf %slice3A, %slice3A_7 : vector<256x4096xf32>
    %slice3A_8 = vector.extract_strided_slice %max3A {offsets = [0, 0], sizes = [256, 2048], strides = [1, 1]} : vector<256x4096xf32> to vector<256x2048xf32>
    %slice3A_9 = vector.extract_strided_slice %max3A {offsets = [0, 2048], sizes = [256, 2048], strides = [1, 1]} : vector<256x4096xf32> to vector<256x2048xf32>
    %max3A_10 = arith.maximumf %slice3A_8, %slice3A_9 : vector<256x2048xf32>
    %slice3A_11 = vector.extract_strided_slice %max3A_10 {offsets = [0, 0], sizes = [256, 1024], strides = [1, 1]} : vector<256x2048xf32> to vector<256x1024xf32>
    %slice3A_12 = vector.extract_strided_slice %max3A_10 {offsets = [0, 1024], sizes = [256, 1024], strides = [1, 1]} : vector<256x2048xf32> to vector<256x1024xf32>
    %max3A_13 = arith.maximumf %slice3A_11, %slice3A_12 : vector<256x1024xf32>
    %slice3A_14 = vector.extract_strided_slice %max3A_13 {offsets = [0, 0], sizes = [256, 512], strides = [1, 1]} : vector<256x1024xf32> to vector<256x512xf32>
    %slice3A_15 = vector.extract_strided_slice %max3A_13 {offsets = [0, 512], sizes = [256, 512], strides = [1, 1]} : vector<256x1024xf32> to vector<256x512xf32>
    %max3A_16 = arith.maximumf %slice3A_14, %slice3A_15 : vector<256x512xf32>
    %max3A_17 = arith.maximumf %broadcast_in_dim3A_0, %max3A_16 : vector<256x512xf32>
    %get3A_18 = arith.constant 0 : index
    %get3A_19 = arith.constant 0 : index
    %get3A_20 = vector.load %arg1[%get3A_18, %get3A_19] : memref<256x9xbf16, #tpu.memory_space<vmem>>, vector<256x9xbf16>
    %get3A_21 = arith.constant 0 : index
    %get3A_22 = arith.constant 8192 : index
    %get3A_23 = vector.load %arg0[%get3A_21, %get3A_22] : memref<9x131072xbf16, #tpu.memory_space<vmem>>, vector<9x8192xbf16>
    %dot_general3A_24 = arith.constant dense<0.000000e+00> : vector<256x8192xf32>
    %dot_general3A_25 = tpu.matmul %get3A_20, %get3A_23, %dot_general3A_24 {dimension_numbers = #tpu.dot_dimension_numbers<[1], [0], [0], [1], [0, 0, 1, 1], [], []>, transpose_lhs_hint = false} : vector<256x9xbf16>, vector<9x8192xbf16>, vector<256x8192xf32> -> vector<256x8192xf32>
    %slice3A_26 = vector.extract_strided_slice %dot_general3A_25 {offsets = [0, 0], sizes = [256, 4096], strides = [1, 1]} : vector<256x8192xf32> to vector<256x4096xf32>
    %slice3A_27 = vector.extract_strided_slice %dot_general3A_25 {offsets = [0, 4096], sizes = [256, 4096], strides = [1, 1]} : vector<256x8192xf32> to vector<256x4096xf32>
    %max3A_28 = arith.maximumf %slice3A_26, %slice3A_27 : vector<256x4096xf32>
    %slice3A_29 = vector.extract_strided_slice %max3A_28 {offsets = [0, 0], sizes = [256, 2048], strides = [1, 1]} : vector<256x4096xf32> to vector<256x2048xf32>
    %slice3A_30 = vector.extract_strided_slice %max3A_28 {offsets = [0, 2048], sizes = [256, 2048], strides = [1, 1]} : vector<256x4096xf32> to vector<256x2048xf32>
    %max3A_31 = arith.maximumf %slice3A_29, %slice3A_30 : vector<256x2048xf32>
    %slice3A_32 = vector.extract_strided_slice %max3A_31 {offsets = [0, 0], sizes = [256, 1024], strides = [1, 1]} : vector<256x2048xf32> to vector<256x1024xf32>
    %slice3A_33 = vector.extract_strided_slice %max3A_31 {offsets = [0, 1024], sizes = [256, 1024], strides = [1, 1]} : vector<256x2048xf32> to vector<256x1024xf32>
    %max3A_34 = arith.maximumf %slice3A_32, %slice3A_33 : vector<256x1024xf32>
    %slice3A_35 = vector.extract_strided_slice %max3A_34 {offsets = [0, 0], sizes = [256, 512], strides = [1, 1]} : vector<256x1024xf32> to vector<256x512xf32>
    %slice3A_36 = vector.extract_strided_slice %max3A_34 {offsets = [0, 512], sizes = [256, 512], strides = [1, 1]} : vector<256x1024xf32> to vector<256x512xf32>
    %max3A_37 = arith.maximumf %slice3A_35, %slice3A_36 : vector<256x512xf32>
    %max3A_38 = arith.maximumf %max3A_17, %max3A_37 : vector<256x512xf32>
    %get3A_39 = arith.constant 0 : index
    %get3A_40 = arith.constant 0 : index
    %get3A_41 = vector.load %arg1[%get3A_39, %get3A_40] : memref<256x9xbf16, #tpu.memory_space<vmem>>, vector<256x9xbf16>
    %get3A_42 = arith.constant 0 : index
    %get3A_43 = arith.constant 16384 : index
    %get3A_44 = vector.load %arg0[%get3A_42, %get3A_43] : memref<9x131072xbf16, #tpu.memory_space<vmem>>, vector<9x8192xbf16>
    %dot_general3A_45 = arith.constant dense<0.000000e+00> : vector<256x8192xf32>
    %dot_general3A_46 = tpu.matmul %get3A_41, %get3A_44, %dot_general3A_45 {dimension_numbers = #tpu.dot_dimension_numbers<[1], [0], [0], [1], [0, 0, 1, 1], [], []>, transpose_lhs_hint = false} : vector<256x9xbf16>, vector<9x8192xbf16>, vector<256x8192xf32> -> vector<256x8192xf32>
    %slice3A_47 = vector.extract_strided_slice %dot_general3A_46 {offsets = [0, 0], sizes = [256, 4096], strides = [1, 1]} : vector<256x8192xf32> to vector<256x4096xf32>
    %slice3A_48 = vector.extract_strided_slice %dot_general3A_46 {offsets = [0, 4096], sizes = [256, 4096], strides = [1, 1]} : vector<256x8192xf32> to vector<256x4096xf32>
    %max3A_49 = arith.maximumf %slice3A_47, %slice3A_48 : vector<256x4096xf32>
    %slice3A_50 = vector.extract_strided_slice %max3A_49 {offsets = [0, 0], sizes = [256, 2048], strides = [1, 1]} : vector<256x4096xf32> to vector<256x2048xf32>
    %slice3A_51 = vector.extract_strided_slice %max3A_49 {offsets = [0, 2048], sizes = [256, 2048], strides = [1, 1]} : vector<256x4096xf32> to vector<256x2048xf32>
    %max3A_52 = arith.maximumf %slice3A_50, %slice3A_51 : vector<256x2048xf32>
    %slice3A_53 = vector.extract_strided_slice %max3A_52 {offsets = [0, 0], sizes = [256, 1024], strides = [1, 1]} : vector<256x2048xf32> to vector<256x1024xf32>
    %slice3A_54 = vector.extract_strided_slice %max3A_52 {offsets = [0, 1024], sizes = [256, 1024], strides = [1, 1]} : vector<256x2048xf32> to vector<256x1024xf32>
    %max3A_55 = arith.maximumf %slice3A_53, %slice3A_54 : vector<256x1024xf32>
    %slice3A_56 = vector.extract_strided_slice %max3A_55 {offsets = [0, 0], sizes = [256, 512], strides = [1, 1]} : vector<256x1024xf32> to vector<256x512xf32>
    %slice3A_57 = vector.extract_strided_slice %max3A_55 {offsets = [0, 512], sizes = [256, 512], strides = [1, 1]} : vector<256x1024xf32> to vector<256x512xf32>
    %max3A_58 = arith.maximumf %slice3A_56, %slice3A_57 : vector<256x512xf32>
    %max3A_59 = arith.maximumf %max3A_38, %max3A_58 : vector<256x512xf32>
    %get3A_60 = arith.constant 0 : index
    %get3A_61 = arith.constant 0 : index
    %get3A_62 = vector.load %arg1[%get3A_60, %get3A_61] : memref<256x9xbf16, #tpu.memory_space<vmem>>, vector<256x9xbf16>
    %get3A_63 = arith.constant 0 : index
    %get3A_64 = arith.constant 24576 : index
    %get3A_65 = vector.load %arg0[%get3A_63, %get3A_64] : memref<9x131072xbf16, #tpu.memory_space<vmem>>, vector<9x8192xbf16>
    %dot_general3A_66 = arith.constant dense<0.000000e+00> : vector<256x8192xf32>
    %dot_general3A_67 = tpu.matmul %get3A_62, %get3A_65, %dot_general3A_66 {dimension_numbers = #tpu.dot_dimension_numbers<[1], [0], [0], [1], [0, 0, 1, 1], [], []>, transpose_lhs_hint = false} : vector<256x9xbf16>, vector<9x8192xbf16>, vector<256x8192xf32> -> vector<256x8192xf32>
    %slice3A_68 = vector.extract_strided_slice %dot_general3A_67 {offsets = [0, 0], sizes = [256, 4096], strides = [1, 1]} : vector<256x8192xf32> to vector<256x4096xf32>
    %slice3A_69 = vector.extract_strided_slice %dot_general3A_67 {offsets = [0, 4096], sizes = [256, 4096], strides = [1, 1]} : vector<256x8192xf32> to vector<256x4096xf32>
    %max3A_70 = arith.maximumf %slice3A_68, %slice3A_69 : vector<256x4096xf32>
    %slice3A_71 = vector.extract_strided_slice %max3A_70 {offsets = [0, 0], sizes = [256, 2048], strides = [1, 1]} : vector<256x4096xf32> to vector<256x2048xf32>
    %slice3A_72 = vector.extract_strided_slice %max3A_70 {offsets = [0, 2048], sizes = [256, 2048], strides = [1, 1]} : vector<256x4096xf32> to vector<256x2048xf32>
    %max3A_73 = arith.maximumf %slice3A_71, %slice3A_72 : vector<256x2048xf32>
    %slice3A_74 = vector.extract_strided_slice %max3A_73 {offsets = [0, 0], sizes = [256, 1024], strides = [1, 1]} : vector<256x2048xf32> to vector<256x1024xf32>
    %slice3A_75 = vector.extract_strided_slice %max3A_73 {offsets = [0, 1024], sizes = [256, 1024], strides = [1, 1]} : vector<256x2048xf32> to vector<256x1024xf32>
    %max3A_76 = arith.maximumf %slice3A_74, %slice3A_75 : vector<256x1024xf32>
    %slice3A_77 = vector.extract_strided_slice %max3A_76 {offsets = [0, 0], sizes = [256, 512], strides = [1, 1]} : vector<256x1024xf32> to vector<256x512xf32>
    %slice3A_78 = vector.extract_strided_slice %max3A_76 {offsets = [0, 512], sizes = [256, 512], strides = [1, 1]} : vector<256x1024xf32> to vector<256x512xf32>
    %max3A_79 = arith.maximumf %slice3A_77, %slice3A_78 : vector<256x512xf32>
    %max3A_80 = arith.maximumf %max3A_59, %max3A_79 : vector<256x512xf32>
    %get3A_81 = arith.constant 0 : index
    %get3A_82 = arith.constant 0 : index
    %get3A_83 = vector.load %arg1[%get3A_81, %get3A_82] : memref<256x9xbf16, #tpu.memory_space<vmem>>, vector<256x9xbf16>
    %get3A_84 = arith.constant 0 : index
    %get3A_85 = arith.constant 32768 : index
    %get3A_86 = vector.load %arg0[%get3A_84, %get3A_85] : memref<9x131072xbf16, #tpu.memory_space<vmem>>, vector<9x8192xbf16>
    %dot_general3A_87 = arith.constant dense<0.000000e+00> : vector<256x8192xf32>
    %dot_general3A_88 = tpu.matmul %get3A_83, %get3A_86, %dot_general3A_87 {dimension_numbers = #tpu.dot_dimension_numbers<[1], [0], [0], [1], [0, 0, 1, 1], [], []>, transpose_lhs_hint = false} : vector<256x9xbf16>, vector<9x8192xbf16>, vector<256x8192xf32> -> vector<256x8192xf32>
    %slice3A_89 = vector.extract_strided_slice %dot_general3A_88 {offsets = [0, 0], sizes = [256, 4096], strides = [1, 1]} : vector<256x8192xf32> to vector<256x4096xf32>
    %slice3A_90 = vector.extract_strided_slice %dot_general3A_88 {offsets = [0, 4096], sizes = [256, 4096], strides = [1, 1]} : vector<256x8192xf32> to vector<256x4096xf32>
    %max3A_91 = arith.maximumf %slice3A_89, %slice3A_90 : vector<256x4096xf32>
    %slice3A_92 = vector.extract_strided_slice %max3A_91 {offsets = [0, 0], sizes = [256, 2048], strides = [1, 1]} : vector<256x4096xf32> to vector<256x2048xf32>
    %slice3A_93 = vector.extract_strided_slice %max3A_91 {offsets = [0, 2048], sizes = [256, 2048], strides = [1, 1]} : vector<256x4096xf32> to vector<256x2048xf32>
    %max3A_94 = arith.maximumf %slice3A_92, %slice3A_93 : vector<256x2048xf32>
    %slice3A_95 = vector.extract_strided_slice %max3A_94 {offsets = [0, 0], sizes = [256, 1024], strides = [1, 1]} : vector<256x2048xf32> to vector<256x1024xf32>
    %slice3A_96 = vector.extract_strided_slice %max3A_94 {offsets = [0, 1024], sizes = [256, 1024], strides = [1, 1]} : vector<256x2048xf32> to vector<256x1024xf32>
    %max3A_97 = arith.maximumf %slice3A_95, %slice3A_96 : vector<256x1024xf32>
    %slice3A_98 = vector.extract_strided_slice %max3A_97 {offsets = [0, 0], sizes = [256, 512], strides = [1, 1]} : vector<256x1024xf32> to vector<256x512xf32>
    %slice3A_99 = vector.extract_strided_slice %max3A_97 {offsets = [0, 512], sizes = [256, 512], strides = [1, 1]} : vector<256x1024xf32> to vector<256x512xf32>
    %max3A_100 = arith.maximumf %slice3A_98, %slice3A_99 : vector<256x512xf32>
    %max3A_101 = arith.maximumf %max3A_80, %max3A_100 : vector<256x512xf32>
    %get3A_102 = arith.constant 0 : index
    %get3A_103 = arith.constant 0 : index
    %get3A_104 = vector.load %arg1[%get3A_102, %get3A_103] : memref<256x9xbf16, #tpu.memory_space<vmem>>, vector<256x9xbf16>
    %get3A_105 = arith.constant 0 : index
    %get3A_106 = arith.constant 40960 : index
    %get3A_107 = vector.load %arg0[%get3A_105, %get3A_106] : memref<9x131072xbf16, #tpu.memory_space<vmem>>, vector<9x8192xbf16>
    %dot_general3A_108 = arith.constant dense<0.000000e+00> : vector<256x8192xf32>
    %dot_general3A_109 = tpu.matmul %get3A_104, %get3A_107, %dot_general3A_108 {dimension_numbers = #tpu.dot_dimension_numbers<[1], [0], [0], [1], [0, 0, 1, 1], [], []>, transpose_lhs_hint = false} : vector<256x9xbf16>, vector<9x8192xbf16>, vector<256x8192xf32> -> vector<256x8192xf32>
    %slice3A_110 = vector.extract_strided_slice %dot_general3A_109 {offsets = [0, 0], sizes = [256, 4096], strides = [1, 1]} : vector<256x8192xf32> to vector<256x4096xf32>
    %slice3A_111 = vector.extract_strided_slice %dot_general3A_109 {offsets = [0, 4096], sizes = [256, 4096], strides = [1, 1]} : vector<256x8192xf32> to vector<256x4096xf32>
    %max3A_112 = arith.maximumf %slice3A_110, %slice3A_111 : vector<256x4096xf32>
    %slice3A_113 = vector.extract_strided_slice %max3A_112 {offsets = [0, 0], sizes = [256, 2048], strides = [1, 1]} : vector<256x4096xf32> to vector<256x2048xf32>
    %slice3A_114 = vector.extract_strided_slice %max3A_112 {offsets = [0, 2048], sizes = [256, 2048], strides = [1, 1]} : vector<256x4096xf32> to vector<256x2048xf32>
    %max3A_115 = arith.maximumf %slice3A_113, %slice3A_114 : vector<256x2048xf32>
    %slice3A_116 = vector.extract_strided_slice %max3A_115 {offsets = [0, 0], sizes = [256, 1024], strides = [1, 1]} : vector<256x2048xf32> to vector<256x1024xf32>
    %slice3A_117 = vector.extract_strided_slice %max3A_115 {offsets = [0, 1024], sizes = [256, 1024], strides = [1, 1]} : vector<256x2048xf32> to vector<256x1024xf32>
    %max3A_118 = arith.maximumf %slice3A_116, %slice3A_117 : vector<256x1024xf32>
    %slice3A_119 = vector.extract_strided_slice %max3A_118 {offsets = [0, 0], sizes = [256, 512], strides = [1, 1]} : vector<256x1024xf32> to vector<256x512xf32>
    %slice3A_120 = vector.extract_strided_slice %max3A_118 {offsets = [0, 512], sizes = [256, 512], strides = [1, 1]} : vector<256x1024xf32> to vector<256x512xf32>
    %max3A_121 = arith.maximumf %slice3A_119, %slice3A_120 : vector<256x512xf32>
    %max3A_122 = arith.maximumf %max3A_101, %max3A_121 : vector<256x512xf32>
    %get3A_123 = arith.constant 0 : index
    %get3A_124 = arith.constant 0 : index
    %get3A_125 = vector.load %arg1[%get3A_123, %get3A_124] : memref<256x9xbf16, #tpu.memory_space<vmem>>, vector<256x9xbf16>
    %get3A_126 = arith.constant 0 : index
    %get3A_127 = arith.constant 49152 : index
    %get3A_128 = vector.load %arg0[%get3A_126, %get3A_127] : memref<9x131072xbf16, #tpu.memory_space<vmem>>, vector<9x8192xbf16>
    %dot_general3A_129 = arith.constant dense<0.000000e+00> : vector<256x8192xf32>
    %dot_general3A_130 = tpu.matmul %get3A_125, %get3A_128, %dot_general3A_129 {dimension_numbers = #tpu.dot_dimension_numbers<[1], [0], [0], [1], [0, 0, 1, 1], [], []>, transpose_lhs_hint = false} : vector<256x9xbf16>, vector<9x8192xbf16>, vector<256x8192xf32> -> vector<256x8192xf32>
    %slice3A_131 = vector.extract_strided_slice %dot_general3A_130 {offsets = [0, 0], sizes = [256, 4096], strides = [1, 1]} : vector<256x8192xf32> to vector<256x4096xf32>
    %slice3A_132 = vector.extract_strided_slice %dot_general3A_130 {offsets = [0, 4096], sizes = [256, 4096], strides = [1, 1]} : vector<256x8192xf32> to vector<256x4096xf32>
    %max3A_133 = arith.maximumf %slice3A_131, %slice3A_132 : vector<256x4096xf32>
    %slice3A_134 = vector.extract_strided_slice %max3A_133 {offsets = [0, 0], sizes = [256, 2048], strides = [1, 1]} : vector<256x4096xf32> to vector<256x2048xf32>
    %slice3A_135 = vector.extract_strided_slice %max3A_133 {offsets = [0, 2048], sizes = [256, 2048], strides = [1, 1]} : vector<256x4096xf32> to vector<256x2048xf32>
    %max3A_136 = arith.maximumf %slice3A_134, %slice3A_135 : vector<256x2048xf32>
    %slice3A_137 = vector.extract_strided_slice %max3A_136 {offsets = [0, 0], sizes = [256, 1024], strides = [1, 1]} : vector<256x2048xf32> to vector<256x1024xf32>
    %slice3A_138 = vector.extract_strided_slice %max3A_136 {offsets = [0, 1024], sizes = [256, 1024], strides = [1, 1]} : vector<256x2048xf32> to vector<256x1024xf32>
    %max3A_139 = arith.maximumf %slice3A_137, %slice3A_138 : vector<256x1024xf32>
    %slice3A_140 = vector.extract_strided_slice %max3A_139 {offsets = [0, 0], sizes = [256, 512], strides = [1, 1]} : vector<256x1024xf32> to vector<256x512xf32>
    %slice3A_141 = vector.extract_strided_slice %max3A_139 {offsets = [0, 512], sizes = [256, 512], strides = [1, 1]} : vector<256x1024xf32> to vector<256x512xf32>
    %max3A_142 = arith.maximumf %slice3A_140, %slice3A_141 : vector<256x512xf32>
    %max3A_143 = arith.maximumf %max3A_122, %max3A_142 : vector<256x512xf32>
    %get3A_144 = arith.constant 0 : index
    %get3A_145 = arith.constant 0 : index
    %get3A_146 = vector.load %arg1[%get3A_144, %get3A_145] : memref<256x9xbf16, #tpu.memory_space<vmem>>, vector<256x9xbf16>
    %get3A_147 = arith.constant 0 : index
    %get3A_148 = arith.constant 57344 : index
    %get3A_149 = vector.load %arg0[%get3A_147, %get3A_148] : memref<9x131072xbf16, #tpu.memory_space<vmem>>, vector<9x8192xbf16>
    %dot_general3A_150 = arith.constant dense<0.000000e+00> : vector<256x8192xf32>
    %dot_general3A_151 = tpu.matmul %get3A_146, %get3A_149, %dot_general3A_150 {dimension_numbers = #tpu.dot_dimension_numbers<[1], [0], [0], [1], [0, 0, 1, 1], [], []>, transpose_lhs_hint = false} : vector<256x9xbf16>, vector<9x8192xbf16>, vector<256x8192xf32> -> vector<256x8192xf32>
    %slice3A_152 = vector.extract_strided_slice %dot_general3A_151 {offsets = [0, 0], sizes = [256, 4096], strides = [1, 1]} : vector<256x8192xf32> to vector<256x4096xf32>
    %slice3A_153 = vector.extract_strided_slice %dot_general3A_151 {offsets = [0, 4096], sizes = [256, 4096], strides = [1, 1]} : vector<256x8192xf32> to vector<256x4096xf32>
    %max3A_154 = arith.maximumf %slice3A_152, %slice3A_153 : vector<256x4096xf32>
    %slice3A_155 = vector.extract_strided_slice %max3A_154 {offsets = [0, 0], sizes = [256, 2048], strides = [1, 1]} : vector<256x4096xf32> to vector<256x2048xf32>
    %slice3A_156 = vector.extract_strided_slice %max3A_154 {offsets = [0, 2048], sizes = [256, 2048], strides = [1, 1]} : vector<256x4096xf32> to vector<256x2048xf32>
    %max3A_157 = arith.maximumf %slice3A_155, %slice3A_156 : vector<256x2048xf32>
    %slice3A_158 = vector.extract_strided_slice %max3A_157 {offsets = [0, 0], sizes = [256, 1024], strides = [1, 1]} : vector<256x2048xf32> to vector<256x1024xf32>
    %slice3A_159 = vector.extract_strided_slice %max3A_157 {offsets = [0, 1024], sizes = [256, 1024], strides = [1, 1]} : vector<256x2048xf32> to vector<256x1024xf32>
    %max3A_160 = arith.maximumf %slice3A_158, %slice3A_159 : vector<256x1024xf32>
    %slice3A_161 = vector.extract_strided_slice %max3A_160 {offsets = [0, 0], sizes = [256, 512], strides = [1, 1]} : vector<256x1024xf32> to vector<256x512xf32>
    %slice3A_162 = vector.extract_strided_slice %max3A_160 {offsets = [0, 512], sizes = [256, 512], strides = [1, 1]} : vector<256x1024xf32> to vector<256x512xf32>
    %max3A_163 = arith.maximumf %slice3A_161, %slice3A_162 : vector<256x512xf32>
    %max3A_164 = arith.maximumf %max3A_143, %max3A_163 : vector<256x512xf32>
    %get3A_165 = arith.constant 0 : index
    %get3A_166 = arith.constant 0 : index
    %get3A_167 = vector.load %arg1[%get3A_165, %get3A_166] : memref<256x9xbf16, #tpu.memory_space<vmem>>, vector<256x9xbf16>
    %get3A_168 = arith.constant 0 : index
    %get3A_169 = arith.constant 65536 : index
    %get3A_170 = vector.load %arg0[%get3A_168, %get3A_169] : memref<9x131072xbf16, #tpu.memory_space<vmem>>, vector<9x8192xbf16>
    %dot_general3A_171 = arith.constant dense<0.000000e+00> : vector<256x8192xf32>
    %dot_general3A_172 = tpu.matmul %get3A_167, %get3A_170, %dot_general3A_171 {dimension_numbers = #tpu.dot_dimension_numbers<[1], [0], [0], [1], [0, 0, 1, 1], [], []>, transpose_lhs_hint = false} : vector<256x9xbf16>, vector<9x8192xbf16>, vector<256x8192xf32> -> vector<256x8192xf32>
    %slice3A_173 = vector.extract_strided_slice %dot_general3A_172 {offsets = [0, 0], sizes = [256, 4096], strides = [1, 1]} : vector<256x8192xf32> to vector<256x4096xf32>
    %slice3A_174 = vector.extract_strided_slice %dot_general3A_172 {offsets = [0, 4096], sizes = [256, 4096], strides = [1, 1]} : vector<256x8192xf32> to vector<256x4096xf32>
    %max3A_175 = arith.maximumf %slice3A_173, %slice3A_174 : vector<256x4096xf32>
    %slice3A_176 = vector.extract_strided_slice %max3A_175 {offsets = [0, 0], sizes = [256, 2048], strides = [1, 1]} : vector<256x4096xf32> to vector<256x2048xf32>
    %slice3A_177 = vector.extract_strided_slice %max3A_175 {offsets = [0, 2048], sizes = [256, 2048], strides = [1, 1]} : vector<256x4096xf32> to vector<256x2048xf32>
    %max3A_178 = arith.maximumf %slice3A_176, %slice3A_177 : vector<256x2048xf32>
    %slice3A_179 = vector.extract_strided_slice %max3A_178 {offsets = [0, 0], sizes = [256, 1024], strides = [1, 1]} : vector<256x2048xf32> to vector<256x1024xf32>
    %slice3A_180 = vector.extract_strided_slice %max3A_178 {offsets = [0, 1024], sizes = [256, 1024], strides = [1, 1]} : vector<256x2048xf32> to vector<256x1024xf32>
    %max3A_181 = arith.maximumf %slice3A_179, %slice3A_180 : vector<256x1024xf32>
    %slice3A_182 = vector.extract_strided_slice %max3A_181 {offsets = [0, 0], sizes = [256, 512], strides = [1, 1]} : vector<256x1024xf32> to vector<256x512xf32>
    %slice3A_183 = vector.extract_strided_slice %max3A_181 {offsets = [0, 512], sizes = [256, 512], strides = [1, 1]} : vector<256x1024xf32> to vector<256x512xf32>
    %max3A_184 = arith.maximumf %slice3A_182, %slice3A_183 : vector<256x512xf32>
    %max3A_185 = arith.maximumf %max3A_164, %max3A_184 : vector<256x512xf32>
    %get3A_186 = arith.constant 0 : index
    %get3A_187 = arith.constant 0 : index
    %get3A_188 = vector.load %arg1[%get3A_186, %get3A_187] : memref<256x9xbf16, #tpu.memory_space<vmem>>, vector<256x9xbf16>
    %get3A_189 = arith.constant 0 : index
    %get3A_190 = arith.constant 73728 : index
    %get3A_191 = vector.load %arg0[%get3A_189, %get3A_190] : memref<9x131072xbf16, #tpu.memory_space<vmem>>, vector<9x8192xbf16>
    %dot_general3A_192 = arith.constant dense<0.000000e+00> : vector<256x8192xf32>
    %dot_general3A_193 = tpu.matmul %get3A_188, %get3A_191, %dot_general3A_192 {dimension_numbers = #tpu.dot_dimension_numbers<[1], [0], [0], [1], [0, 0, 1, 1], [], []>, transpose_lhs_hint = false} : vector<256x9xbf16>, vector<9x8192xbf16>, vector<256x8192xf32> -> vector<256x8192xf32>
    %slice3A_194 = vector.extract_strided_slice %dot_general3A_193 {offsets = [0, 0], sizes = [256, 4096], strides = [1, 1]} : vector<256x8192xf32> to vector<256x4096xf32>
    %slice3A_195 = vector.extract_strided_slice %dot_general3A_193 {offsets = [0, 4096], sizes = [256, 4096], strides = [1, 1]} : vector<256x8192xf32> to vector<256x4096xf32>
    %max3A_196 = arith.maximumf %slice3A_194, %slice3A_195 : vector<256x4096xf32>
    %slice3A_197 = vector.extract_strided_slice %max3A_196 {offsets = [0, 0], sizes = [256, 2048], strides = [1, 1]} : vector<256x4096xf32> to vector<256x2048xf32>
    %slice3A_198 = vector.extract_strided_slice %max3A_196 {offsets = [0, 2048], sizes = [256, 2048], strides = [1, 1]} : vector<256x4096xf32> to vector<256x2048xf32>
    %max3A_199 = arith.maximumf %slice3A_197, %slice3A_198 : vector<256x2048xf32>
    %slice3A_200 = vector.extract_strided_slice %max3A_199 {offsets = [0, 0], sizes = [256, 1024], strides = [1, 1]} : vector<256x2048xf32> to vector<256x1024xf32>
    %slice3A_201 = vector.extract_strided_slice %max3A_199 {offsets = [0, 1024], sizes = [256, 1024], strides = [1, 1]} : vector<256x2048xf32> to vector<256x1024xf32>
    %max3A_202 = arith.maximumf %slice3A_200, %slice3A_201 : vector<256x1024xf32>
    %slice3A_203 = vector.extract_strided_slice %max3A_202 {offsets = [0, 0], sizes = [256, 512], strides = [1, 1]} : vector<256x1024xf32> to vector<256x512xf32>
    %slice3A_204 = vector.extract_strided_slice %max3A_202 {offsets = [0, 512], sizes = [256, 512], strides = [1, 1]} : vector<256x1024xf32> to vector<256x512xf32>
    %max3A_205 = arith.maximumf %slice3A_203, %slice3A_204 : vector<256x512xf32>
    %max3A_206 = arith.maximumf %max3A_185, %max3A_205 : vector<256x512xf32>
    %get3A_207 = arith.constant 0 : index
    %get3A_208 = arith.constant 0 : index
    %get3A_209 = vector.load %arg1[%get3A_207, %get3A_208] : memref<256x9xbf16, #tpu.memory_space<vmem>>, vector<256x9xbf16>
    %get3A_210 = arith.constant 0 : index
    %get3A_211 = arith.constant 81920 : index
    %get3A_212 = vector.load %arg0[%get3A_210, %get3A_211] : memref<9x131072xbf16, #tpu.memory_space<vmem>>, vector<9x8192xbf16>
    %dot_general3A_213 = arith.constant dense<0.000000e+00> : vector<256x8192xf32>
    %dot_general3A_214 = tpu.matmul %get3A_209, %get3A_212, %dot_general3A_213 {dimension_numbers = #tpu.dot_dimension_numbers<[1], [0], [0], [1], [0, 0, 1, 1], [], []>, transpose_lhs_hint = false} : vector<256x9xbf16>, vector<9x8192xbf16>, vector<256x8192xf32> -> vector<256x8192xf32>
    %slice3A_215 = vector.extract_strided_slice %dot_general3A_214 {offsets = [0, 0], sizes = [256, 4096], strides = [1, 1]} : vector<256x8192xf32> to vector<256x4096xf32>
    %slice3A_216 = vector.extract_strided_slice %dot_general3A_214 {offsets = [0, 4096], sizes = [256, 4096], strides = [1, 1]} : vector<256x8192xf32> to vector<256x4096xf32>
    %max3A_217 = arith.maximumf %slice3A_215, %slice3A_216 : vector<256x4096xf32>
    %slice3A_218 = vector.extract_strided_slice %max3A_217 {offsets = [0, 0], sizes = [256, 2048], strides = [1, 1]} : vector<256x4096xf32> to vector<256x2048xf32>
    %slice3A_219 = vector.extract_strided_slice %max3A_217 {offsets = [0, 2048], sizes = [256, 2048], strides = [1, 1]} : vector<256x4096xf32> to vector<256x2048xf32>
    %max3A_220 = arith.maximumf %slice3A_218, %slice3A_219 : vector<256x2048xf32>
    %slice3A_221 = vector.extract_strided_slice %max3A_220 {offsets = [0, 0], sizes = [256, 1024], strides = [1, 1]} : vector<256x2048xf32> to vector<256x1024xf32>
    %slice3A_222 = vector.extract_strided_slice %max3A_220 {offsets = [0, 1024], sizes = [256, 1024], strides = [1, 1]} : vector<256x2048xf32> to vector<256x1024xf32>
    %max3A_223 = arith.maximumf %slice3A_221, %slice3A_222 : vector<256x1024xf32>
    %slice3A_224 = vector.extract_strided_slice %max3A_223 {offsets = [0, 0], sizes = [256, 512], strides = [1, 1]} : vector<256x1024xf32> to vector<256x512xf32>
    %slice3A_225 = vector.extract_strided_slice %max3A_223 {offsets = [0, 512], sizes = [256, 512], strides = [1, 1]} : vector<256x1024xf32> to vector<256x512xf32>
    %max3A_226 = arith.maximumf %slice3A_224, %slice3A_225 : vector<256x512xf32>
    %max3A_227 = arith.maximumf %max3A_206, %max3A_226 : vector<256x512xf32>
    %get3A_228 = arith.constant 0 : index
    %get3A_229 = arith.constant 0 : index
    %get3A_230 = vector.load %arg1[%get3A_228, %get3A_229] : memref<256x9xbf16, #tpu.memory_space<vmem>>, vector<256x9xbf16>
    %get3A_231 = arith.constant 0 : index
    %get3A_232 = arith.constant 90112 : index
    %get3A_233 = vector.load %arg0[%get3A_231, %get3A_232] : memref<9x131072xbf16, #tpu.memory_space<vmem>>, vector<9x8192xbf16>
    %dot_general3A_234 = arith.constant dense<0.000000e+00> : vector<256x8192xf32>
    %dot_general3A_235 = tpu.matmul %get3A_230, %get3A_233, %dot_general3A_234 {dimension_numbers = #tpu.dot_dimension_numbers<[1], [0], [0], [1], [0, 0, 1, 1], [], []>, transpose_lhs_hint = false} : vector<256x9xbf16>, vector<9x8192xbf16>, vector<256x8192xf32> -> vector<256x8192xf32>
    %slice3A_236 = vector.extract_strided_slice %dot_general3A_235 {offsets = [0, 0], sizes = [256, 4096], strides = [1, 1]} : vector<256x8192xf32> to vector<256x4096xf32>
    %slice3A_237 = vector.extract_strided_slice %dot_general3A_235 {offsets = [0, 4096], sizes = [256, 4096], strides = [1, 1]} : vector<256x8192xf32> to vector<256x4096xf32>
    %max3A_238 = arith.maximumf %slice3A_236, %slice3A_237 : vector<256x4096xf32>
    %slice3A_239 = vector.extract_strided_slice %max3A_238 {offsets = [0, 0], sizes = [256, 2048], strides = [1, 1]} : vector<256x4096xf32> to vector<256x2048xf32>
    %slice3A_240 = vector.extract_strided_slice %max3A_238 {offsets = [0, 2048], sizes = [256, 2048], strides = [1, 1]} : vector<256x4096xf32> to vector<256x2048xf32>
    %max3A_241 = arith.maximumf %slice3A_239, %slice3A_240 : vector<256x2048xf32>
    %slice3A_242 = vector.extract_strided_slice %max3A_241 {offsets = [0, 0], sizes = [256, 1024], strides = [1, 1]} : vector<256x2048xf32> to vector<256x1024xf32>
    %slice3A_243 = vector.extract_strided_slice %max3A_241 {offsets = [0, 1024], sizes = [256, 1024], strides = [1, 1]} : vector<256x2048xf32> to vector<256x1024xf32>
    %max3A_244 = arith.maximumf %slice3A_242, %slice3A_243 : vector<256x1024xf32>
    %slice3A_245 = vector.extract_strided_slice %max3A_244 {offsets = [0, 0], sizes = [256, 512], strides = [1, 1]} : vector<256x1024xf32> to vector<256x512xf32>
    %slice3A_246 = vector.extract_strided_slice %max3A_244 {offsets = [0, 512], sizes = [256, 512], strides = [1, 1]} : vector<256x1024xf32> to vector<256x512xf32>
    %max3A_247 = arith.maximumf %slice3A_245, %slice3A_246 : vector<256x512xf32>
    %max3A_248 = arith.maximumf %max3A_227, %max3A_247 : vector<256x512xf32>
    %get3A_249 = arith.constant 0 : index
    %get3A_250 = arith.constant 0 : index
    %get3A_251 = vector.load %arg1[%get3A_249, %get3A_250] : memref<256x9xbf16, #tpu.memory_space<vmem>>, vector<256x9xbf16>
    %get3A_252 = arith.constant 0 : index
    %get3A_253 = arith.constant 98304 : index
    %get3A_254 = vector.load %arg0[%get3A_252, %get3A_253] : memref<9x131072xbf16, #tpu.memory_space<vmem>>, vector<9x8192xbf16>
    %dot_general3A_255 = arith.constant dense<0.000000e+00> : vector<256x8192xf32>
    %dot_general3A_256 = tpu.matmul %get3A_251, %get3A_254, %dot_general3A_255 {dimension_numbers = #tpu.dot_dimension_numbers<[1], [0], [0], [1], [0, 0, 1, 1], [], []>, transpose_lhs_hint = false} : vector<256x9xbf16>, vector<9x8192xbf16>, vector<256x8192xf32> -> vector<256x8192xf32>
    %slice3A_257 = vector.extract_strided_slice %dot_general3A_256 {offsets = [0, 0], sizes = [256, 4096], strides = [1, 1]} : vector<256x8192xf32> to vector<256x4096xf32>
    %slice3A_258 = vector.extract_strided_slice %dot_general3A_256 {offsets = [0, 4096], sizes = [256, 4096], strides = [1, 1]} : vector<256x8192xf32> to vector<256x4096xf32>
    %max3A_259 = arith.maximumf %slice3A_257, %slice3A_258 : vector<256x4096xf32>
    %slice3A_260 = vector.extract_strided_slice %max3A_259 {offsets = [0, 0], sizes = [256, 2048], strides = [1, 1]} : vector<256x4096xf32> to vector<256x2048xf32>
    %slice3A_261 = vector.extract_strided_slice %max3A_259 {offsets = [0, 2048], sizes = [256, 2048], strides = [1, 1]} : vector<256x4096xf32> to vector<256x2048xf32>
    %max3A_262 = arith.maximumf %slice3A_260, %slice3A_261 : vector<256x2048xf32>
    %slice3A_263 = vector.extract_strided_slice %max3A_262 {offsets = [0, 0], sizes = [256, 1024], strides = [1, 1]} : vector<256x2048xf32> to vector<256x1024xf32>
    %slice3A_264 = vector.extract_strided_slice %max3A_262 {offsets = [0, 1024], sizes = [256, 1024], strides = [1, 1]} : vector<256x2048xf32> to vector<256x1024xf32>
    %max3A_265 = arith.maximumf %slice3A_263, %slice3A_264 : vector<256x1024xf32>
    %slice3A_266 = vector.extract_strided_slice %max3A_265 {offsets = [0, 0], sizes = [256, 512], strides = [1, 1]} : vector<256x1024xf32> to vector<256x512xf32>
    %slice3A_267 = vector.extract_strided_slice %max3A_265 {offsets = [0, 512], sizes = [256, 512], strides = [1, 1]} : vector<256x1024xf32> to vector<256x512xf32>
    %max3A_268 = arith.maximumf %slice3A_266, %slice3A_267 : vector<256x512xf32>
    %max3A_269 = arith.maximumf %max3A_248, %max3A_268 : vector<256x512xf32>
    %get3A_270 = arith.constant 0 : index
    %get3A_271 = arith.constant 0 : index
    %get3A_272 = vector.load %arg1[%get3A_270, %get3A_271] : memref<256x9xbf16, #tpu.memory_space<vmem>>, vector<256x9xbf16>
    %get3A_273 = arith.constant 0 : index
    %get3A_274 = arith.constant 106496 : index
    %get3A_275 = vector.load %arg0[%get3A_273, %get3A_274] : memref<9x131072xbf16, #tpu.memory_space<vmem>>, vector<9x8192xbf16>
    %dot_general3A_276 = arith.constant dense<0.000000e+00> : vector<256x8192xf32>
    %dot_general3A_277 = tpu.matmul %get3A_272, %get3A_275, %dot_general3A_276 {dimension_numbers = #tpu.dot_dimension_numbers<[1], [0], [0], [1], [0, 0, 1, 1], [], []>, transpose_lhs_hint = false} : vector<256x9xbf16>, vector<9x8192xbf16>, vector<256x8192xf32> -> vector<256x8192xf32>
    %slice3A_278 = vector.extract_strided_slice %dot_general3A_277 {offsets = [0, 0], sizes = [256, 4096], strides = [1, 1]} : vector<256x8192xf32> to vector<256x4096xf32>
    %slice3A_279 = vector.extract_strided_slice %dot_general3A_277 {offsets = [0, 4096], sizes = [256, 4096], strides = [1, 1]} : vector<256x8192xf32> to vector<256x4096xf32>
    %max3A_280 = arith.maximumf %slice3A_278, %slice3A_279 : vector<256x4096xf32>
    %slice3A_281 = vector.extract_strided_slice %max3A_280 {offsets = [0, 0], sizes = [256, 2048], strides = [1, 1]} : vector<256x4096xf32> to vector<256x2048xf32>
    %slice3A_282 = vector.extract_strided_slice %max3A_280 {offsets = [0, 2048], sizes = [256, 2048], strides = [1, 1]} : vector<256x4096xf32> to vector<256x2048xf32>
    %max3A_283 = arith.maximumf %slice3A_281, %slice3A_282 : vector<256x2048xf32>
    %slice3A_284 = vector.extract_strided_slice %max3A_283 {offsets = [0, 0], sizes = [256, 1024], strides = [1, 1]} : vector<256x2048xf32> to vector<256x1024xf32>
    %slice3A_285 = vector.extract_strided_slice %max3A_283 {offsets = [0, 1024], sizes = [256, 1024], strides = [1, 1]} : vector<256x2048xf32> to vector<256x1024xf32>
    %max3A_286 = arith.maximumf %slice3A_284, %slice3A_285 : vector<256x1024xf32>
    %slice3A_287 = vector.extract_strided_slice %max3A_286 {offsets = [0, 0], sizes = [256, 512], strides = [1, 1]} : vector<256x1024xf32> to vector<256x512xf32>
    %slice3A_288 = vector.extract_strided_slice %max3A_286 {offsets = [0, 512], sizes = [256, 512], strides = [1, 1]} : vector<256x1024xf32> to vector<256x512xf32>
    %max3A_289 = arith.maximumf %slice3A_287, %slice3A_288 : vector<256x512xf32>
    %max3A_290 = arith.maximumf %max3A_269, %max3A_289 : vector<256x512xf32>
    %get3A_291 = arith.constant 0 : index
    %get3A_292 = arith.constant 0 : index
    %get3A_293 = vector.load %arg1[%get3A_291, %get3A_292] : memref<256x9xbf16, #tpu.memory_space<vmem>>, vector<256x9xbf16>
    %get3A_294 = arith.constant 0 : index
    %get3A_295 = arith.constant 114688 : index
    %get3A_296 = vector.load %arg0[%get3A_294, %get3A_295] : memref<9x131072xbf16, #tpu.memory_space<vmem>>, vector<9x8192xbf16>
    %dot_general3A_297 = arith.constant dense<0.000000e+00> : vector<256x8192xf32>
    %dot_general3A_298 = tpu.matmul %get3A_293, %get3A_296, %dot_general3A_297 {dimension_numbers = #tpu.dot_dimension_numbers<[1], [0], [0], [1], [0, 0, 1, 1], [], []>, transpose_lhs_hint = false} : vector<256x9xbf16>, vector<9x8192xbf16>, vector<256x8192xf32> -> vector<256x8192xf32>
    %slice3A_299 = vector.extract_strided_slice %dot_general3A_298 {offsets = [0, 0], sizes = [256, 4096], strides = [1, 1]} : vector<256x8192xf32> to vector<256x4096xf32>
    %slice3A_300 = vector.extract_strided_slice %dot_general3A_298 {offsets = [0, 4096], sizes = [256, 4096], strides = [1, 1]} : vector<256x8192xf32> to vector<256x4096xf32>
    %max3A_301 = arith.maximumf %slice3A_299, %slice3A_300 : vector<256x4096xf32>
    %slice3A_302 = vector.extract_strided_slice %max3A_301 {offsets = [0, 0], sizes = [256, 2048], strides = [1, 1]} : vector<256x4096xf32> to vector<256x2048xf32>
    %slice3A_303 = vector.extract_strided_slice %max3A_301 {offsets = [0, 2048], sizes = [256, 2048], strides = [1, 1]} : vector<256x4096xf32> to vector<256x2048xf32>
    %max3A_304 = arith.maximumf %slice3A_302, %slice3A_303 : vector<256x2048xf32>
    %slice3A_305 = vector.extract_strided_slice %max3A_304 {offsets = [0, 0], sizes = [256, 1024], strides = [1, 1]} : vector<256x2048xf32> to vector<256x1024xf32>
    %slice3A_306 = vector.extract_strided_slice %max3A_304 {offsets = [0, 1024], sizes = [256, 1024], strides = [1, 1]} : vector<256x2048xf32> to vector<256x1024xf32>
    %max3A_307 = arith.maximumf %slice3A_305, %slice3A_306 : vector<256x1024xf32>
    %slice3A_308 = vector.extract_strided_slice %max3A_307 {offsets = [0, 0], sizes = [256, 512], strides = [1, 1]} : vector<256x1024xf32> to vector<256x512xf32>
    %slice3A_309 = vector.extract_strided_slice %max3A_307 {offsets = [0, 512], sizes = [256, 512], strides = [1, 1]} : vector<256x1024xf32> to vector<256x512xf32>
    %max3A_310 = arith.maximumf %slice3A_308, %slice3A_309 : vector<256x512xf32>
    %max3A_311 = arith.maximumf %max3A_290, %max3A_310 : vector<256x512xf32>
    %get3A_312 = arith.constant 0 : index
    %get3A_313 = arith.constant 0 : index
    %get3A_314 = vector.load %arg1[%get3A_312, %get3A_313] : memref<256x9xbf16, #tpu.memory_space<vmem>>, vector<256x9xbf16>
    %get3A_315 = arith.constant 0 : index
    %get3A_316 = arith.constant 122880 : index
    %get3A_317 = vector.load %arg0[%get3A_315, %get3A_316] : memref<9x131072xbf16, #tpu.memory_space<vmem>>, vector<9x8192xbf16>
    %dot_general3A_318 = arith.constant dense<0.000000e+00> : vector<256x8192xf32>
    %dot_general3A_319 = tpu.matmul %get3A_314, %get3A_317, %dot_general3A_318 {dimension_numbers = #tpu.dot_dimension_numbers<[1], [0], [0], [1], [0, 0, 1, 1], [], []>, transpose_lhs_hint = false} : vector<256x9xbf16>, vector<9x8192xbf16>, vector<256x8192xf32> -> vector<256x8192xf32>
    %iota3A = tpu.iota {dimensions = array<i32: 1>} : vector<256x8192xi32>
    %lt3A = arith.constant 7168 : i32
    %lt3A_320 = vector.broadcast %lt3A : i32 to vector<256x8192xi32>
    %lt3A_321 = arith.cmpi slt, %iota3A, %lt3A_320 : vector<256x8192xi32>
    %jit3A = arith.constant 0xFF800000 : f32
    %broadcast_in_dim3A_322 = vector.broadcast %jit3A : f32 to vector<256x8192xf32>
    %select_n3A = arith.select %lt3A_321, %dot_general3A_319, %broadcast_in_dim3A_322 : vector<256x8192xi1>, vector<256x8192xf32>
    %slice3A_323 = vector.extract_strided_slice %select_n3A {offsets = [0, 0], sizes = [256, 4096], strides = [1, 1]} : vector<256x8192xf32> to vector<256x4096xf32>
    %slice3A_324 = vector.extract_strided_slice %select_n3A {offsets = [0, 4096], sizes = [256, 4096], strides = [1, 1]} : vector<256x8192xf32> to vector<256x4096xf32>
    %max3A_325 = arith.maximumf %slice3A_323, %slice3A_324 : vector<256x4096xf32>
    %slice3A_326 = vector.extract_strided_slice %max3A_325 {offsets = [0, 0], sizes = [256, 2048], strides = [1, 1]} : vector<256x4096xf32> to vector<256x2048xf32>
    %slice3A_327 = vector.extract_strided_slice %max3A_325 {offsets = [0, 2048], sizes = [256, 2048], strides = [1, 1]} : vector<256x4096xf32> to vector<256x2048xf32>
    %max3A_328 = arith.maximumf %slice3A_326, %slice3A_327 : vector<256x2048xf32>
    %slice3A_329 = vector.extract_strided_slice %max3A_328 {offsets = [0, 0], sizes = [256, 1024], strides = [1, 1]} : vector<256x2048xf32> to vector<256x1024xf32>
    %slice3A_330 = vector.extract_strided_slice %max3A_328 {offsets = [0, 1024], sizes = [256, 1024], strides = [1, 1]} : vector<256x2048xf32> to vector<256x1024xf32>
    %max3A_331 = arith.maximumf %slice3A_329, %slice3A_330 : vector<256x1024xf32>
    %slice3A_332 = vector.extract_strided_slice %max3A_331 {offsets = [0, 0], sizes = [256, 512], strides = [1, 1]} : vector<256x1024xf32> to vector<256x512xf32>
    %slice3A_333 = vector.extract_strided_slice %max3A_331 {offsets = [0, 512], sizes = [256, 512], strides = [1, 1]} : vector<256x1024xf32> to vector<256x512xf32>
    %max3A_334 = arith.maximumf %slice3A_332, %slice3A_333 : vector<256x512xf32>
    %max3A_335 = arith.maximumf %max3A_311, %max3A_334 : vector<256x512xf32>
    %get3A_336 = arith.constant 0 : index
    %get3A_337 = arith.constant 0 : index
    %get3A_338 = vector.load %arg2[%get3A_336, %get3A_337] : memref<256x1xf32, #tpu.memory_space<vmem>>, vector<256x1xf32>
    %add3A = vector.broadcast %get3A_338 : vector<256x1xf32> to vector<256x512xf32>
    %add3A_339 = arith.addf %max3A_335, %add3A : vector<256x512xf32>
    %get3A_340 = arith.constant 0 : index
    %get3A_341 = arith.constant 0 : index
    %get3A_342 = vector.load %arg3[%get3A_340, %get3A_341] : memref<256x256xf32, #tpu.memory_space<vmem>>, vector<256x256xf32>
    %dot_general3A_343 = arith.constant dense<0.000000e+00> : vector<256x512xf32>
    %dot_general3A_344 = tpu.matmul %get3A_342, %add3A_339, %dot_general3A_343 {dimension_numbers = #tpu.dot_dimension_numbers<[1], [0], [0], [1], [0, 0, 1, 1], [], []>, transpose_lhs_hint = false} : vector<256x256xf32>, vector<256x512xf32>, vector<256x512xf32> -> vector<256x512xf32>
    %get3A_345 = arith.constant 0 : index
    %get3A_346 = arith.constant 0 : index
    %get3A_347 = vector.load %arg4[%get3A_345, %get3A_346] : memref<256x1xf32, #tpu.memory_space<vmem>>, vector<256x1xf32>
    %add3A_348 = vector.broadcast %get3A_347 : vector<256x1xf32> to vector<256x512xf32>
    %add3A_349 = arith.addf %dot_general3A_344, %add3A_348 : vector<256x512xf32>
    %max3A_350 = arith.constant 0.000000e+00 : f32
    %max3A_351 = vector.broadcast %max3A_350 : f32 to vector<256x512xf32>
    %max3A_352 = arith.maximumf %add3A_349, %max3A_351 : vector<256x512xf32>
    %get3A_353 = arith.constant 0 : index
    %get3A_354 = arith.constant 0 : index
    %get3A_355 = vector.load %arg5[%get3A_353, %get3A_354] : memref<256x256xf32, #tpu.memory_space<vmem>>, vector<256x256xf32>
    %dot_general3A_356 = arith.constant dense<0.000000e+00> : vector<256x512xf32>
    %dot_general3A_357 = tpu.matmul %get3A_355, %max3A_352, %dot_general3A_356 {dimension_numbers = #tpu.dot_dimension_numbers<[1], [0], [0], [1], [0, 0, 1, 1], [], []>, transpose_lhs_hint = false} : vector<256x256xf32>, vector<256x512xf32>, vector<256x512xf32> -> vector<256x512xf32>
    %get3A_358 = arith.constant 0 : index
    %get3A_359 = arith.constant 0 : index
    %get3A_360 = vector.load %arg6[%get3A_358, %get3A_359] : memref<256x1xf32, #tpu.memory_space<vmem>>, vector<256x1xf32>
    %add3A_361 = vector.broadcast %get3A_360 : vector<256x1xf32> to vector<256x512xf32>
    %add3A_362 = arith.addf %dot_general3A_357, %add3A_361 : vector<256x512xf32>
    %max3A_363 = arith.constant 0.000000e+00 : f32
    %max3A_364 = vector.broadcast %max3A_363 : f32 to vector<256x512xf32>
    %max3A_365 = arith.maximumf %add3A_362, %max3A_364 : vector<256x512xf32>
    %get3A_366 = arith.constant 0 : index
    %get3A_367 = arith.constant 0 : index
    %get3A_368 = vector.load %arg7[%get3A_366, %get3A_367] : memref<64x256xf32, #tpu.memory_space<vmem>>, vector<64x256xf32>
    %dot_general3A_369 = arith.constant dense<0.000000e+00> : vector<64x512xf32>
    %dot_general3A_370 = tpu.matmul %get3A_368, %max3A_365, %dot_general3A_369 {dimension_numbers = #tpu.dot_dimension_numbers<[1], [0], [0], [1], [0, 0, 1, 1], [], []>, transpose_lhs_hint = false} : vector<64x256xf32>, vector<256x512xf32>, vector<64x512xf32> -> vector<64x512xf32>
    %get3A_371 = arith.constant 0 : index
    %get3A_372 = arith.constant 0 : index
    %get3A_373 = vector.load %arg8[%get3A_371, %get3A_372] : memref<64x1xf32, #tpu.memory_space<vmem>>, vector<64x1xf32>
    %add3A_374 = vector.broadcast %get3A_373 : vector<64x1xf32> to vector<64x512xf32>
    %add3A_375 = arith.addf %dot_general3A_370, %add3A_374 : vector<64x512xf32>
    %get3A_376 = arith.constant 0 : index
    %get3A_377 = arith.constant 0 : index
    %get3A_378 = vector.load %arg9[%get3A_376, %get3A_377] : memref<1024x64xf32, #tpu.memory_space<vmem>>, vector<1024x64xf32>
    %integer_pow3A = arith.mulf %get3A_378, %get3A_378 : vector<1024x64xf32>
    %reduce_sum3A = arith.constant dense<0.000000e+00> : vector<1024xf32>
    %reduce_sum3A_379 = vector.multi_reduction <add>, %integer_pow3A, %reduce_sum3A [1] : vector<1024x64xf32> to vector<1024xf32>
    %broadcast_in_dim3A_380 = vector.shape_cast %reduce_sum3A_379 : vector<1024xf32> to vector<1024x1xf32>
    %get3A_381 = arith.constant 0 : index
    %get3A_382 = arith.constant 0 : index
    %get3A_383 = vector.load %arg9[%get3A_381, %get3A_382] : memref<1024x64xf32, #tpu.memory_space<vmem>>, vector<1024x64xf32>
    %dot_general3A_384 = arith.constant dense<0.000000e+00> : vector<1024x512xf32>
    %dot_general3A_385 = tpu.matmul %get3A_383, %add3A_375, %dot_general3A_384 {dimension_numbers = #tpu.dot_dimension_numbers<[1], [0], [0], [1], [0, 0, 1, 1], [], []>, transpose_lhs_hint = false} : vector<1024x64xf32>, vector<64x512xf32>, vector<1024x512xf32> -> vector<1024x512xf32>
    %mul3A = arith.constant 2.000000e+00 : f32
    %mul3A_386 = vector.broadcast %mul3A : f32 to vector<1024x512xf32>
    %mul3A_387 = arith.mulf %mul3A_386, %dot_general3A_385 : vector<1024x512xf32>
    %sub3A = vector.broadcast %broadcast_in_dim3A_380 : vector<1024x1xf32> to vector<1024x512xf32>
    %sub3A_388 = arith.subf %sub3A, %mul3A_387 : vector<1024x512xf32>
    %reduce_min3A = arith.constant dense<0x7F800000> : vector<512xf32>
    %reduce_min3A_389 = vector.multi_reduction <minimumf>, %sub3A_388, %reduce_min3A [0] : vector<1024x512xf32> to vector<512xf32>
    %broadcast_in_dim3A_390 = vector.shape_cast %reduce_min3A_389 : vector<512xf32> to vector<1x512xf32>
    %iota3A_391 = tpu.iota {dimensions = array<i32: 0>} : vector<1024x512xi32>
    %le3A = vector.broadcast %broadcast_in_dim3A_390 : vector<1x512xf32> to vector<1024x512xf32>
    %le3A_392 = arith.cmpf ole, %sub3A_388, %le3A : vector<1024x512xf32>
    %jit3A_393 = arith.constant 1024 : i32
    %broadcast_in_dim3A_394 = vector.broadcast %jit3A_393 : i32 to vector<1024x512xi32>
    %select_n3A_395 = arith.select %le3A_392, %iota3A_391, %broadcast_in_dim3A_394 : vector<1024x512xi1>, vector<1024x512xi32>
    %reduce_min3A_396 = arith.constant dense<2147483647> : vector<512xi32>
    %reduce_min3A_397 = vector.multi_reduction <minsi>, %select_n3A_395, %reduce_min3A_396 [0] : vector<1024x512xi32> to vector<512xi32>
    %swap3A = arith.constant 0 : index
    %swap3A_398 = arith.constant 0 : index
    %swap3A_399 = vector.load %arg15[%swap3A, %swap3A_398] : memref<1x512xi32, #tpu.memory_space<vmem>>, vector<1x512xi32>
    %swap3A_400 = vector.shape_cast %swap3A_399 : vector<1x512xi32> to vector<512xi32>
    %swap3A_401 = vector.shape_cast %reduce_min3A_397 : vector<512xi32> to vector<1x512xi32>
    tpu.vector_store %arg15[%swap3A, %swap3A_398], %swap3A_401 {strides = array<i32>} : memref<1x512xi32, #tpu.memory_space<vmem>>, vector<1x512xi32>,
    %get3A_402 = arith.constant 0 : index
    %get3A_403 = arith.constant 0 : index
    %get3A_404 = vector.load %arg12[%get3A_402, %get3A_403] : memref<256x16xf32, #tpu.memory_space<vmem>>, vector<256x16xf32>
    %get3A_405 = arith.constant 0 : index
    %get3A_406 = arith.constant 0 : index
    %get3A_407 = vector.load %arg10[%get3A_405, %get3A_406] : memref<16x512xf32, #tpu.memory_space<vmem>>, vector<16x512xf32>
    %dot_general3A_408 = arith.constant dense<0.000000e+00> : vector<256x512xf32>
    %dot_general3A_409 = tpu.matmul %get3A_404, %get3A_407, %dot_general3A_408 {dimension_numbers = #tpu.dot_dimension_numbers<[1], [0], [0], [1], [0, 0, 1, 1], [], []>, transpose_lhs_hint = false} : vector<256x16xf32>, vector<16x512xf32>, vector<256x512xf32> -> vector<256x512xf32>
    %get3A_410 = arith.constant 0 : index
    %get3A_411 = arith.constant 0 : index
    %get3A_412 = vector.load %arg13[%get3A_410, %get3A_411] : memref<256x3xf32, #tpu.memory_space<vmem>>, vector<256x3xf32>
    %get3A_413 = arith.constant 0 : index
    %get3A_414 = arith.constant 0 : index
    %get3A_415 = vector.load %arg11[%get3A_413, %get3A_414] : memref<3x512xf32, #tpu.memory_space<vmem>>, vector<3x512xf32>
    %dot_general3A_416 = arith.constant dense<0.000000e+00> : vector<256x512xf32>
    %dot_general3A_417 = tpu.matmul %get3A_412, %get3A_415, %dot_general3A_416 {dimension_numbers = #tpu.dot_dimension_numbers<[1], [0], [0], [1], [0, 0, 1, 1], [], []>, transpose_lhs_hint = false} : vector<256x3xf32>, vector<3x512xf32>, vector<256x512xf32> -> vector<256x512xf32>
    %add3A_418 = arith.addf %dot_general3A_409, %dot_general3A_417 : vector<256x512xf32>
    %get3A_419 = arith.constant 0 : index
    %get3A_420 = arith.constant 0 : index
    %get3A_421 = vector.load %arg14[%get3A_419, %get3A_420] : memref<256x1xf32, #tpu.memory_space<vmem>>, vector<256x1xf32>
    %add3A_422 = vector.broadcast %get3A_421 : vector<256x1xf32> to vector<256x512xf32>
    %add3A_423 = arith.addf %add3A_418, %add3A_422 : vector<256x512xf32>
    %swap3A_424 = arith.constant 0 : index
    %swap3A_425 = arith.constant 0 : index
    %swap3A_426 = vector.load %arg16[%swap3A_424, %swap3A_425] : memref<256x512xf32, #tpu.memory_space<vmem>>, vector<256x512xf32>
    tpu.vector_store %arg16[%swap3A_424, %swap3A_425], %add3A_423 {strides = array<i32>} : memref<256x512xf32, #tpu.memory_space<vmem>>, vector<256x512xf32>,
    return
  }
}

module attributes {stable_mosaic.version = 14 : i64} {
  func.func @_dec_kernel(%arg0: memref<512x64xf32, #tpu.memory_space<vmem>>, %arg1: memref<256x512xf32, #tpu.memory_space<vmem>>, %arg2: memref<256x64xf32, #tpu.memory_space<vmem>>, %arg3: memref<256x256xf32, #tpu.memory_space<vmem>>, %arg4: memref<256x1xf32, #tpu.memory_space<vmem>>, %arg5: memref<256x256xf32, #tpu.memory_space<vmem>>, %arg6: memref<256x1xf32, #tpu.memory_space<vmem>>, %arg7: memref<3x256xf32, #tpu.memory_space<vmem>>, %arg8: memref<3x1xf32, #tpu.memory_space<vmem>>, %arg9: memref<512x3xf32, #tpu.memory_space<vmem>>) attributes {dimension_semantics = [], scalar_prefetch = 0 : i64, scratch_operands = 0 : i64, tpu.core_type = #tpu.core_type<tc>} {
    %get3A = arith.constant 0 : index
    %get3A_0 = arith.constant 0 : index
    %get3A_1 = vector.load %arg0[%get3A, %get3A_0] : memref<512x64xf32, #tpu.memory_space<vmem>>, vector<512x64xf32>
    %transpose3A = tpu.transpose %get3A_1, [1, 0] : vector<512x64xf32> -> vector<64x512xf32>
    %get3A_2 = arith.constant 0 : index
    %get3A_3 = arith.constant 0 : index
    %get3A_4 = vector.load %arg2[%get3A_2, %get3A_3] : memref<256x64xf32, #tpu.memory_space<vmem>>, vector<256x64xf32>
    %dot_general3A = arith.constant dense<0.000000e+00> : vector<256x512xf32>
    %dot_general3A_5 = tpu.matmul %get3A_4, %transpose3A, %dot_general3A {dimension_numbers = #tpu.dot_dimension_numbers<[1], [0], [0], [1], [0, 0, 1, 1], [], []>, transpose_lhs_hint = false} : vector<256x64xf32>, vector<64x512xf32>, vector<256x512xf32> -> vector<256x512xf32>
    %get3A_6 = arith.constant 0 : index
    %get3A_7 = arith.constant 0 : index
    %get3A_8 = vector.load %arg1[%get3A_6, %get3A_7] : memref<256x512xf32, #tpu.memory_space<vmem>>, vector<256x512xf32>
    %add3A = arith.addf %dot_general3A_5, %get3A_8 : vector<256x512xf32>
    %max3A = arith.constant 0.000000e+00 : f32
    %max3A_9 = vector.broadcast %max3A : f32 to vector<256x512xf32>
    %max3A_10 = arith.maximumf %add3A, %max3A_9 : vector<256x512xf32>
    %get3A_11 = arith.constant 0 : index
    %get3A_12 = arith.constant 0 : index
    %get3A_13 = vector.load %arg3[%get3A_11, %get3A_12] : memref<256x256xf32, #tpu.memory_space<vmem>>, vector<256x256xf32>
    %dot_general3A_14 = arith.constant dense<0.000000e+00> : vector<256x512xf32>
    %dot_general3A_15 = tpu.matmul %get3A_13, %max3A_10, %dot_general3A_14 {dimension_numbers = #tpu.dot_dimension_numbers<[1], [0], [0], [1], [0, 0, 1, 1], [], []>, transpose_lhs_hint = false} : vector<256x256xf32>, vector<256x512xf32>, vector<256x512xf32> -> vector<256x512xf32>
    %get3A_16 = arith.constant 0 : index
    %get3A_17 = arith.constant 0 : index
    %get3A_18 = vector.load %arg4[%get3A_16, %get3A_17] : memref<256x1xf32, #tpu.memory_space<vmem>>, vector<256x1xf32>
    %add3A_19 = vector.broadcast %get3A_18 : vector<256x1xf32> to vector<256x512xf32>
    %add3A_20 = arith.addf %dot_general3A_15, %add3A_19 : vector<256x512xf32>
    %max3A_21 = arith.constant 0.000000e+00 : f32
    %max3A_22 = vector.broadcast %max3A_21 : f32 to vector<256x512xf32>
    %max3A_23 = arith.maximumf %add3A_20, %max3A_22 : vector<256x512xf32>
    %get3A_24 = arith.constant 0 : index
    %get3A_25 = arith.constant 0 : index
    %get3A_26 = vector.load %arg5[%get3A_24, %get3A_25] : memref<256x256xf32, #tpu.memory_space<vmem>>, vector<256x256xf32>
    %dot_general3A_27 = arith.constant dense<0.000000e+00> : vector<256x512xf32>
    %dot_general3A_28 = tpu.matmul %get3A_26, %max3A_23, %dot_general3A_27 {dimension_numbers = #tpu.dot_dimension_numbers<[1], [0], [0], [1], [0, 0, 1, 1], [], []>, transpose_lhs_hint = false} : vector<256x256xf32>, vector<256x512xf32>, vector<256x512xf32> -> vector<256x512xf32>
    %get3A_29 = arith.constant 0 : index
    %get3A_30 = arith.constant 0 : index
    %get3A_31 = vector.load %arg6[%get3A_29, %get3A_30] : memref<256x1xf32, #tpu.memory_space<vmem>>, vector<256x1xf32>
    %add3A_32 = vector.broadcast %get3A_31 : vector<256x1xf32> to vector<256x512xf32>
    %add3A_33 = arith.addf %dot_general3A_28, %add3A_32 : vector<256x512xf32>
    %max3A_34 = arith.constant 0.000000e+00 : f32
    %max3A_35 = vector.broadcast %max3A_34 : f32 to vector<256x512xf32>
    %max3A_36 = arith.maximumf %add3A_33, %max3A_35 : vector<256x512xf32>
    %get3A_37 = arith.constant 0 : index
    %get3A_38 = arith.constant 0 : index
    %get3A_39 = vector.load %arg7[%get3A_37, %get3A_38] : memref<3x256xf32, #tpu.memory_space<vmem>>, vector<3x256xf32>
    %dot_general3A_40 = arith.constant dense<0.000000e+00> : vector<3x512xf32>
    %dot_general3A_41 = tpu.matmul %get3A_39, %max3A_36, %dot_general3A_40 {dimension_numbers = #tpu.dot_dimension_numbers<[1], [0], [0], [1], [0, 0, 1, 1], [], []>, transpose_lhs_hint = false} : vector<3x256xf32>, vector<256x512xf32>, vector<3x512xf32> -> vector<3x512xf32>
    %get3A_42 = arith.constant 0 : index
    %get3A_43 = arith.constant 0 : index
    %get3A_44 = vector.load %arg8[%get3A_42, %get3A_43] : memref<3x1xf32, #tpu.memory_space<vmem>>, vector<3x1xf32>
    %add3A_45 = vector.broadcast %get3A_44 : vector<3x1xf32> to vector<3x512xf32>
    %add3A_46 = arith.addf %dot_general3A_41, %add3A_45 : vector<3x512xf32>
    %transpose3A_47 = tpu.transpose %add3A_46, [1, 0] : vector<3x512xf32> -> vector<512x3xf32>
    %swap3A = arith.constant 0 : index
    %swap3A_48 = arith.constant 0 : index
    %swap3A_49 = vector.load %arg9[%swap3A, %swap3A_48] : memref<512x3xf32, #tpu.memory_space<vmem>>, vector<512x3xf32>
    tpu.vector_store %arg9[%swap3A, %swap3A_48], %transpose3A_47 {strides = array<i32>} : memref<512x3xf32, #tpu.memory_space<vmem>>, vector<512x3xf32>,
    return
  }
}

</mosaic_0001>

<sc_bundles>
// kernel: kernel.5.cloned.1.call-start
scs
__scs_entry_jumppad:
0x0: {  	(pc) =	sbr.rel $0x88, $3  }
0x1: {  	(tag) =	ssettag $0x0;
	lr =	simm.s32 $0x1  }
0x2: {  	[smem:$0x3F8E] =	sst lr;
	_ =	strace $0xD0000000  }
0x3: {  	_ = 	snop  }
0x4: {  	_ = 	snop  }
0x5: {  	_ = 	snop  }
0x6: {  	_ = 	snop  }
0x7: {  	_ = 	snop  }
__scs_overlays_trampoline_lowered:
0x8: {  	[smem:$0x3F9D] =	sst s0  }
0x9: {  	[smem:$0x3F9E] =	sst s1  }
0xa: {  	[smem:$0x3F9F] =	sst s2  }
0xb: {  	[smem:$0x3FA0] =	sst s3  }
0xc: {  	[smem:$0x3FA1] =	sst s4  }
0xd: {  	[smem:$0x3FA2] =	sst s5  }
0xe: {  	[smem:$0x3FA3] =	sst s6  }
0xf: {  	[smem:$0x3FA4] =	sst s7  }
0x10: {  	[smem:$0x3FA5] =	sst s8  }
0x11: {  	[smem:$0x3FA6] =	sst s9;
	s0 =	simm.s32 @!p0 $0x0  }
0x12: {  	s1 =	sld [smem:$0x3F8C];
	s0 =	simm.s32 @p0 $0x1  }
0x13: {  	[smem:$0x3FA7] =	sst s0;
	s0 =	simm.s32 @!p1 $0x0  }
0x14: {  	s2 =	sld [smem:$0x3F8B];
	s0 =	simm.s32 @p1 $0x1  }
0x15: {  	[smem:$0x3FA8] =	sst s0;
	s0 =	simm.s32 @!p2 $0x0  }
0x16: {  	s3 =	sld [smem:$0x3FDB];
	s0 =	simm.s32 @p2 $0x1  }
0x17: {  	s4 =	simm.s32 $0x1BF5;
	[smem:$0x3FAA] =	sst s0  }
0x18: {  	s0 =	sld [smem:$0x3F8D];
	_ =	swait.ge [sflag:s4], $0x0  }
0x19: {  	s7 =	sld [smem:$0x3F8E]  }
0x1a: {  	s8 =	sadd.s32 $0xFFFFE003, lr  }
0x1b: {  	s9 =	sadd.s32 $0xFFFFFEF7, lr;
	s5 =	simm.s32 $0xFFFFFFFF;
	p2 =	slt.u32 s8, $0xFFFFF086  }
0x1c: {  	p1 =	slt.u32 s9, $0xF7A;
	s5 =	simm.s32 @!p2 $0x0  }
0x1d: {  	s5 =	simm.s32 @p1 $0x1;
	p0 =	seq.s32 s7, s2  }
0x1e: {  	s7 =	smul.u32 @!p0 $0xF7A, s2;
	p2 =	seq.s32 @!p0 s5, $0x0  }
0x1f: {  	s9 =	smul.u32 $0xF7A, s1;
	s8 =	simm.s32 @!p0 $0x1BF5;
	p2 =	por !p2, p0  }
0x20: {  	[sflag:s8] =	ssyncset.s32 @!p0 $0xFFFFF086;
	s6 =	sadd.s32 @!p0 s3, s7;
	s7 =	simm.s32 @!p0 $0x108  }
0x21: {  	s3 =	sadd.s32 s3, s9;
	s6 =	sadd.s32 @!p0 $0x88, s6;
	s7 =	simm.s32 @p2 $0x1082  }
0x22: {  	[simem:s7], [sflag:s8] =	dma.local @!p0 [hbm:s6], $0xF7A  }
0x23: {  	s9 =	sor.u32 $0xD0000000, s2;
	s6 =	simm.s32 $0x108;
	_ =	swait.ge @!p0 [sflag:s8], $0x0  }
0x24: {  	s3 =	sadd.s32 $0x88, s3;
	s6 =	simm.s32 @!p1 $0x1082;
	[sflag:s4] =	ssyncset.s32 $0xFFFFF086  }
0x25: {  	[simem:s6], [sflag:s4] =	dma.local [hbm:s3], $0xF7A  }
0x26: {  	[smem:$0x3F8E] =	sst s1;
	(tag) =	ssettag s2;
	_ =	strace s9  }
0x27: {  	s1 =	sld [smem:$0x3F9E]  }
0x28: {  	s2 =	sld [smem:$0x3F9F]  }
0x29: {  	s4 =	sld [smem:$0x3FA1]  }
0x2a: {  	p0 =	seq.s32 s5, $0x0;
	s5 =	sld [smem:$0x3FA2]  }
0x2b: {  	s6 =	sld [smem:$0x3FA3]  }
0x2c: {  	s7 =	sld [smem:$0x3FA4]  }
0x2d: {  	s3 =	simm.s32 $0x108;
	s8 =	sld [smem:$0x3FA5]  }
0x2e: {  	s3 =	simm.s32 @!p0 $0x1082;
	s9 =	sld [smem:$0x3FA6]  }
0x2f: {  	lr =	sadd.s32 s0, s3;
	s0 =	sld [smem:$0x3F9D]  }
0x30: {  	s3 =	sld [smem:$0x3FA0]  }
0x31: {  	[smem:$0x3FA9] =	sst s10  }
0x32: {  	s10 =	sld [smem:$0x3FA7];
	_ =	sdelay $0x3  }
0x33: {  	p0 =	seq.s32 s10, $0x1;
	s10 =	sld [smem:$0x3FA9];
	_ =	sdelay $0x3  }
0x34: {  	[smem:$0x3FA9] =	sst s10  }
0x35: {  	s10 =	sld [smem:$0x3FA8];
	_ =	sdelay $0x3  }
0x36: {  	p1 =	seq.s32 s10, $0x1;
	s10 =	sld [smem:$0x3FA9];
	_ =	sdelay $0x3  }
0x37: {  	[smem:$0x3FA9] =	sst s10  }
0x38: {  	s10 =	sld [smem:$0x3FAA]  }
0x39: {  	_ = 	snop;
	(pc) =	sbr.ind lr, $3  }
0x3a: {  	_ = 	snop  }
0x3b: {  	_ = 	snop  }
0x3c: {  	p2 =	seq.s32 s10, $0x1;
	s10 =	sld [smem:$0x3FA9]  }
0x3d: {  	_ =	shalt  }
0x3e: {  	_ =	shalt  }
0x3f: {  	_ =	shalt  }
0x40: {  	_ =	shalt  }
0x41: {  	_ =	shalt  }
0x42: {  	_ =	shalt  }
0x43: {  	_ =	shalt  }
0x44: {  	_ =	shalt  }
0x45: {  	_ =	shalt  }
0x46: {  	_ =	shalt  }
0x47: {  	_ =	shalt  }
0x48: {  	_ =	shalt  }
0x49: {  	_ =	shalt  }
0x4a: {  	_ =	shalt  }
0x4b: {  	_ =	shalt  }
0x4c: {  	_ =	shalt  }
0x4d: {  	_ =	shalt  }
0x4e: {  	_ =	shalt  }
0x4f: {  	_ =	shalt  }
0x50: {  	_ =	shalt  }
0x51: {  	_ =	shalt  }
0x52: {  	_ =	shalt  }
0x53: {  	_ =	shalt  }
0x54: {  	_ =	shalt  }
0x55: {  	_ =	shalt  }
0x56: {  	_ =	shalt  }
0x57: {  	_ =	shalt  }
0x58: {  	_ =	shalt  }
0x59: {  	_ =	shalt  }
0x5a: {  	_ =	shalt  }
0x5b: {  	_ =	shalt  }
0x5c: {  	_ =	shalt  }
0x5d: {  	_ =	shalt  }
0x5e: {  	_ =	shalt  }
0x5f: {  	_ =	shalt  }
0x60: {  	_ =	shalt  }
0x61: {  	_ =	shalt  }
0x62: {  	_ =	shalt  }
0x63: {  	_ =	shalt  }
0x64: {  	_ =	shalt  }
0x65: {  	_ =	shalt  }
0x66: {  	_ =	shalt  }
0x67: {  	_ =	shalt  }
0x68: {  	_ =	shalt  }
0x69: {  	_ =	shalt  }
0x6a: {  	_ =	shalt  }
0x6b: {  	_ =	shalt  }
0x6c: {  	_ =	shalt  }
0x6d: {  	_ =	shalt  }
0x6e: {  	_ =	shalt  }
0x6f: {  	_ =	shalt  }
0x70: {  	_ =	shalt  }
0x71: {  	_ =	shalt  }
0x72: {  	_ =	shalt  }
0x73: {  	_ =	shalt  }
0x74: {  	_ =	shalt  }
0x75: {  	_ =	shalt  }
0x76: {  	_ =	shalt  }
0x77: {  	_ =	shalt  }
0x78: {  	_ =	shalt  }
0x79: {  	_ =	shalt  }
0x7a: {  	_ =	shalt  }
0x7b: {  	_ =	shalt  }
0x7c: {  	_ =	shalt  }
0x7d: {  	_ =	shalt  }
0x7e: {  	_ =	shalt  }
0x7f: {  	_ =	shalt  }
0x80: {  	_ =	shalt  }
0x81: {  	_ =	shalt  }
0x82: {  	_ =	shalt  }
0x83: {  	_ =	shalt  }
0x84: {  	_ =	shalt  }
0x85: {  	_ =	shalt  }
0x86: {  	_ =	shalt  }
0x87: {  	_ =	shalt  }
.Lfunc_end0:
.L_simem_size_0:
called_computation_lowered:
.L_overlay_start_0:
0x88: {  	s2 =	sld [smem:$0x3FD9]  }
0x89: {  	s3 =	sld [smem:$0x3FFE];
	_ =	sdelay $0x1  }
0x8a: {  	s1 =	srdreg.scid  }
0x8b: {  	s0 =	sand.u32 $0x1, s1  }
0x8c: {  	s17 =	sshll.u32 s0, $0xA;
	s2 =	sadd.s32 s3, s2  }
0x8d: {  	s2 =	sadd.s32 s2, s17  }
0x8e: {  	[smem:$0x3FB5] =	sst s2  }
0x8f: {  	_ = 	snop  }
0x90: {  	s2 =	sld [smem:$0x3FD0];
	(tm) =	ssettm $0x1  }
0x91: {  	s18 =	sld [smem:$0x3FFB];
	_ =	sdelay $0x3  }
0x92: {  	_ =	strace s18  }
0x93: {  	s3 =	sld [smem:$0x3FFC];
	_ =	sdelay $0x3  }
0x94: {  	_ =	strace s3  }
0x95: {  	s3 =	sld [smem:$0x3FFD];
	_ =	sdelay $0x3  }
0x96: {  	_ =	strace s3  }
0x97: {  	_ =	strace $0x8FFFFFFF  }
0x98: {  	s19 =	sld [smem:$0x3FDB];
	_ =	sdelay $0x1  }
0x99: {  	s4 =	simm.s32 $_scs_section_size  }
0x9a: {  	s5 =	simm.s32 $_size__tile_overlayer_lowered;
	s6 =	simm.s32 $_tile_overlayer_lowered  }
0x9b: {  	s22 =	simm.s32 $0x1BFF;
	s21 =	sshll.u32 s6, $0x1;
	s3 =	sadd.s32 s4, s19  }
0x9c: {  	s7 =	simm.s32 $0x0;
	s20 =	sshll.u32 s5, $0x1;
	s5 =	sadd.s32 s21, s3  }
0x9d: {  	[timem:s7], [sflag:s22] =	dma.local [hbm:s5], s20  }
0x9e: {  	_ =	swait.ge [sflag:s22], s20  }
0x9f: {  	s4 =	ssub.s32 $0x0, s20;
	[sflag:s22] =	ssyncset.done $0x0  }
0xa0: {  	[sflag:s22] =	ssyncadd.s32 s4;
	_ =	sdelay $0x1  }
0xa1: {  	s23 =	simm.s32 $0x1B8B  }
0xa2: {  	_ =	swait.ge [sflag:s23], $0x1  }
0xa3: {  	[sflag:s23] =	ssyncset.done $0x0  }
0xa4: {  	s25 =	simm.s32 $0x1B8E;
	s24 =	sld [smem:$0x3FFE];
	[sflag:s23] =	ssyncadd.s32 $0xFFFFFFFF  }
0xa5: {  	s26 =	simm.s32 $execute0_lowered;
	[smem:$0x3FD2] =	sst s25  }
0xa6: {  	s5 =	sshll.u32 s26, $0x1;
	_ =	strace $0x80000046;
	[dreg:$0x1] =	wrdreg $0xFFFFFFFF  }
0xa7: {  	s28 =	simm.s32 $_size_execute0_lowered;
	s3 =	sadd.s32 s3, s5;
	[dreg:$0x0] =	wrdreg $0x0  }
0xa8: {  	s5 =	sshll.u32 s28, $0x1;
	[dreg:$0x2] =	wrdreg s3  }
0xa9: {  	[dreg:$0x3] =	wrdreg s5  }
0xaa: {  	[dreg:$0x4] =	wrdreg $0xC0  }
0xab: {  	_ =	task [dreg:s7], $0x5FFFF  }
0xac: {  	[dreg:$0x1] =	wrdreg $0xFFFFFFFF  }
0xad: {  	[dreg:$0x0] =	wrdreg $0x60  }
0xae: {  	[dreg:$0x2] =	wrdreg s24  }
0xaf: {  	[dreg:$0x3] =	wrdreg s2  }
0xb0: {  	[dreg:$0x4] =	wrdreg $0x9  }
0xb1: {  	_ =	task.clear_ibuf [dreg:s7], $0x5FFFF;
	_ =	strace $0x90000046  }
0xb2: {  	s29 =	simm.s32 $0x9;
	_ =	strace $0x80000048  }
0xb3: {  	_ =	swait.ge [sflag:s29], $0x1  }
0xb4: {  	[sflag:s29] =	ssyncadd.s32 $0xFFFFFFFF  }
0xb5: {  	_ =	strace $0x90000048  }
0xb6: {  	_ =	sfence  }
0xb7: {  	s30 =	sld [smem:$0x0];
	_ =	sdelay $0x2  }
0xb8: {  	s31 =	sshll.u32 s1, $0xD;
	s1 =	sshrl.u32 s1, $0x2  }
0xb9: {  	s3 =	sand.u32 $0x4000, s31;
	s1 =	sadd.s32 s1, s30  }
0xba: {  	s0 =	sor.u32 s3, s0;
	s1 =	sshll.u32 s1, $0x11  }
0xbb: {  	s0 =	sor.u32 s1, s0  }
0xbc: {  	s0 =	sadd.s32 $0x8F2B, s0  }
0xbd: {  	[sflag:s0] =	ssyncadd.remote.s32 $0x1  }
0xbe: {  	_ =	sfence.sel $0xFFFF  }
0xbf: {  	[dreg:$0x0] =	wrdreg $0xFFFFFFFF;
	(pc) =	sbr.abs _section_cstart, $3  }
0xc0: {  	[dreg:$0x1] =	wrdreg $0xFFFFFFFF  }
0xc1: {  	_ =	task.clear_ibuf [dreg:s7], $0x2FFFF;
	_ =	strace $0x9FFFFFFF  }
0xc2: {  	(tm) =	ssettm $0x7FFFFFFF  }
0xc3: {  	_ =	shalt  }
tec
execute0_lowered:
.L_overlay_start_1:
0x0: {  	(tag) =	ssettag $0x1  }
0x1: {  	s1 =	srdreg.scid  }
0x2: {  	s8 =	rddreg [dreg:$0x0];
	s0 =	stileid.u32  }
0x3: {  	s3 =	rddreg [dreg:$0x1];
	s2 =	simm.s32 $0x0;
	s6 =	sand.u32 $0x1, s1  }
0x4: {  	s4 =	sshll.u32 s0, $0x5;
	s1 =	rddreg [dreg:$0x2];
	s5 =	sshll.u32 s6, $0x4  }
0x5: {  	s7 =	simm.s32 $0x1;
	[smem:$0x7FF] =	sst s2;
	s9 =	sor.u32 s5, s4  }
0x6: {  	_ =	strace $0x80000047;
	s10 =	ssub.s32 $0x2, s6;
	s4 =	sshrl.u32 s9, $0x3  }
0x7: {  	s6 =	simm.s32 $0x10;
	s4 =	sadd.s32 s3, s4;
	s3 =	simm.s32 $0x2  }
0x8: {  	[tilespmem:s2], [sflag:$0x2] =	stream.linear.gather [hbm4b:s4+s2], $0x10, $0x38;
	[tilespmem:$0x410] =	vst v63  }
0x9: {  	s5 =	sadd.s32 $0x1E00, s8;
	s11 =	sshrl.u32 s10, $0x1;
	_ =	swait.ge [sflag:s3], $0x10  }
0xa: {  	s9 =	sshll.u32 s9, $0x3;
	s31 =	ssub.s32 s10, s11;
	[sflag:s3] =	ssyncset.done $0x0  }
0xb: {  	s8 =	sadd.s32 s9, s8;
	s9 =	smax.u32 s31, $0x1;
	[sflag:s3] =	ssyncadd.s32 $0xFFFFFFF0  }
0xc: {  	[tilespmem:s6], [sflag:$0x1] =	stream.indirect.gather [hbm4b:s5+s6], $0x40, s2, s6, $0xb8;
	[tilespmem:$0x410] =	vst v63  }
0xd: {  	p0 =	sne.s32 s9, $0x1;
	_ =	swait.ge [sflag:s7], $0x400  }
.Ltmp0:
0xe: {  	[sflag:s7] =	ssyncset.done $0x0;
	(pc) =	sbr.rel @!p0 .LBB2_2-.Ltmp0, $4  }
0xf: {  	s8 =	sadd.s32 $0x3E00, s8;
	[sflag:s7] =	ssyncadd.s32 $0xFFFFFC00  }
0x10: {  	[hbm4b:s8+s2] =	stream.linear.scatter [tilespmem:s6], [sflag:$0x2], $0x400, $0x38;
	[tilespmem:$0x410] =	vst v63  }
0x11: {  	_ =	swait.ge [sflag:s3], $0x400  }
0x12: {  	s9 =	sadd.s32 $0xFFFFFFFF, s9;
	[sflag:s3] =	ssyncset.done $0x0  }
.LBB2_1:
0x13: {  	p0 =	sne.s32 s9, $0x1;
	s9 =	sadd.s32 $0xFFFFFFFF, s9;
	[sflag:s3] =	ssyncadd.s32 $0xFFFFFC00  }
0x14: {  	[tilespmem:s2], [sflag:$0x2] =	stream.linear.gather [hbm4b:s4+s2], $0x10, $0x38;
	[tilespmem:$0x410] =	vst v63  }
0x15: {  	_ =	swait.ge [sflag:s3], $0x10  }
0x16: {  	[sflag:s3] =	ssyncset.done $0x0  }
0x17: {  	[sflag:s3] =	ssyncadd.s32 $0xFFFFFFF0  }
0x18: {  	[tilespmem:s6], [sflag:$0x1] =	stream.indirect.gather [hbm4b:s5+s6], $0x40, s2, s6, $0xb8;
	[tilespmem:$0x410] =	vst v63  }
0x19: {  	_ =	swait.ge [sflag:s7], $0x400  }
.Ltmp1:
0x1a: {  	[sflag:s7] =	ssyncset.done $0x0;
	(pc) =	sbr.rel @p0 .LBB2_1-.Ltmp1, $4  }
0x1b: {  	[sflag:s7] =	ssyncadd.s32 $0xFFFFFC00  }
0x1c: {  	[hbm4b:s8+s2] =	stream.linear.scatter [tilespmem:s6], [sflag:$0x2], $0x400, $0x38;
	[tilespmem:$0x410] =	vst v63  }
0x1d: {  	_ =	swait.ge [sflag:s3], $0x400  }
0x1e: {  	[sflag:s3] =	ssyncset.done $0x0  }
.LBB2_2:
0x1f: {  	[sflag:s3] =	ssyncadd.s32 $0xFFFFFC00  }
0x20: {  	_ =	sfence.sel $0x180000  }
0x21: {  	[bflag:$0x0] =	sbarrier.arrive $0xFFFF  }
0x22: {  	p0 =	sne.s32 s0, $0x0;
	_ =	strace $0x90000047  }
0x23: {  	s0 =	sadd.s32 @!p0 $0x100000, s1;
	[bflag:$0x2] =	sbarrier.arrive $0xFFFF  }
0x24: {  	[sflag:s0] =	ssyncadd.tile.s32 @!p0 $0x1;
	_ =	shalt  }
.Lfunc_end2:
_tile_overlayer_lowered:
.L_overlay_start_2:
0x25: {  	(tag) =	ssettag $0x2  }
0x26: {  	s0 =	rddreg [dreg:$0x0];
	s2 =	stileid.u32  }
0x27: {  	s1 =	rddreg [dreg:$0x1];
	p0 =	sne.s32 s2, $0x0  }
0x28: {  	s3 =	rddreg [dreg:$0x2];
	[bflag:$0x3] =	sbarrier.arrive $0xFFFF;
	s2 =	simm.s32 @!p0 $0x1C02  }
0x29: {  	[timem:s3], [sflag:s2] =	dma.local @!p0 [hbm:s0], s1  }
0x2a: {  	s0 =	simm.s32 @!p0 $0x2  }
0x2b: {  	_ =	swait.ge @!p0 [sflag:s0], s1  }
0x2c: {  	s1 =	ssub.s32 @!p0 $0x0, s1;
	[sflag:s0] =	ssyncset.done @!p0 $0x0  }
0x2d: {  	[sflag:s0] =	ssyncadd.s32 @!p0 s1  }
0x2e: {  	[bflag:$0x3] =	sbarrier.arrive $0xFFFF  }
0x2f: {  	_ =	shalt  }

</sc_bundles>
